<compile_context>
chip_gen: v7x
topology: tpu7x:2x2x1
jax: 0.10.2.dev20260603
libtpu: 0.0.44.dev20260713+nightly
codegen_flags: <defaults>
</compile_context>

<pallas_src>
import functools

import jax
import jax.numpy as jnp
from jax import lax
from jax.experimental import pallas as pl
from jax.experimental.pallas import tpu as pltpu
from jax.experimental.pallas import tpu_sc as plsc

B, Q, D, KPAIR = 16, 1024, 256, 256
N = Q // 2
K = KPAIR
GBUF = 256
TBUF = 512
NSUB = 32
WR = 32
MININT = -2147483648


def _skey(x):
    b = lax.bitcast_convert_type(x, jnp.int32)
    return jnp.where(b >= 0, b, b ^ jnp.int32(0x7FFFFFFF))


def _mlp_body(subf_ref, objf_ref, ws1, bs1, ws2, bs2, wo1, bo1, wo2, bo2,
              out_ref):
    dn = (((1,), (1,)), ((), ()))
    sub = subf_ref[...]
    obj = objf_ref[...]
    se = lax.dot_general(jnp.maximum(lax.dot_general(sub, ws1[...], dn)
                                     + bs1[...], 0.0), ws2[...], dn) + bs2[...]
    oe = lax.dot_general(jnp.maximum(lax.dot_general(obj, wo1[...], dn)
                                     + bo1[...], 0.0), wo2[...], dn) + bo2[...]
    se = se / (jnp.sqrt(jnp.sum(se * se, axis=1, keepdims=True)) + 1e-6)
    oe = oe / (jnp.sqrt(jnp.sum(oe * oe, axis=1, keepdims=True)) + 1e-6)
    out_ref[...] = lax.dot_general(se, oe, dn)


def _mlp_call(subf, objf, ws1, bs1, ws2, bs2, wo1, bo1, wo2, bo2):
    full = lambda s: pl.BlockSpec(s, lambda b: (0,) * len(s))
    return pl.pallas_call(
        _mlp_body,
        grid=(B,),
        in_specs=[
            pl.BlockSpec((None, N, D), lambda b: (b, 0, 0)),
            pl.BlockSpec((None, N, D), lambda b: (b, 0, 0)),
            full((D, D)), full((1, D)), full((D, D)), full((1, D)),
            full((D, D)), full((1, D)), full((D, D)), full((1, D)),
        ],
        out_specs=pl.BlockSpec((None, N, N), lambda b: (b, 0, 0)),
        out_shape=jax.ShapeDtypeStruct((B, N, N), jnp.float32),
    )(subf, objf, ws1, bs1, ws2, bs2, wo1, bo1, wo2, bo2)


def _conv_body(imp_ref, cw1, cb1, cw2, cb2, out_ref, xp_ref, acc_ref):
    imp = imp_ref[...].astype(jnp.bfloat16).astype(jnp.float32)
    zr = jnp.zeros((1, N), jnp.float32)
    xv = jnp.concatenate([zr, imp, zr], axis=0)
    zc = jnp.zeros((N + 2, 1), jnp.float32)
    xp_ref[...] = jnp.concatenate([zc, xv, zc], axis=1)
    acc_ref[...] = jnp.zeros((N, N), jnp.float32)

    def ch_body(c, _):
        y = jnp.zeros((N, N), jnp.float32)
        for a in range(3):
            for bb in range(3):
                w = cw1[c, a * 3 + bb].astype(jnp.bfloat16).astype(jnp.float32)
                y = y + w * xp_ref[a:a + N, bb:bb + N]
        r = jnp.maximum(y + cb1[c], 0.0)
        rb = r.astype(jnp.bfloat16).astype(jnp.float32)
        v = cw2[c].astype(jnp.bfloat16).astype(jnp.float32)
        acc_ref[...] = acc_ref[...] + v * rb
        return 0

    lax.fori_loop(0, 16, ch_body, 0)
    out_ref[...] = _skey(acc_ref[...] + cb2[0])


def _conv_call(imp, cw1, cb1, cw2, cb2):
    smem = lambda s: pl.BlockSpec(memory_space=pltpu.SMEM)
    return pl.pallas_call(
        _conv_body,
        grid=(B,),
        in_specs=[
            pl.BlockSpec((None, N, N), lambda b: (b, 0, 0)),
            smem((16, 9)), smem((16,)), smem((16,)), smem((1,)),
        ],
        out_specs=pl.BlockSpec((None, N, N), lambda b: (b, 0, 0)),
        out_shape=jax.ShapeDtypeStruct((B, N, N), jnp.int32),
        scratch_shapes=[pltpu.VMEM((N + 2, N + 2), jnp.float32),
                        pltpu.VMEM((N, N), jnp.float32)],
    )(imp, cw1, cb1, cw2, cb2)


def _thresh_body(sk_ref, t_ref):
    def bit_body(i, tu):
        bit = lax.shift_left(jnp.int32(1), 31 - i)
        cand_u = tu | bit
        cand_s = cand_u ^ MININT
        cnt = jnp.sum((sk_ref[...] >= cand_s[:, None, None])
                      .astype(jnp.int32), axis=(1, 2))
        return jnp.where(cnt >= K, cand_u, tu)

    tu = lax.fori_loop(0, 32, bit_body, jnp.zeros((B,), jnp.int32))
    ts = tu ^ MININT
    t_ref[...] = jnp.broadcast_to(ts[:, None], (B, 16))


def _thresh_call(skeys):
    return pl.pallas_call(
        _thresh_body,
        out_shape=jax.ShapeDtypeStruct((B, 16), jnp.int32),
    )(skeys)


def _sc_body(sk_hbm, tv_hbm, gti_hbm, gtk_hbm, tie_hbm,
             win_v, t_v, gti_v, gtk_v, tie_v, cnt_v):
    wid = lax.axis_index("s") * 2 + lax.axis_index("c")
    pltpu.sync_copy(tv_hbm.at[wid], t_v)
    t = t_v[...]
    iota = lax.broadcasted_iota(jnp.int32, (16,), 0)

    for i in range(GBUF // 16):
        gtk_v[pl.ds(i * 16, 16)] = jnp.full((16,), MININT, jnp.int32)
        gti_v[pl.ds(i * 16, 16)] = jnp.zeros((16,), jnp.int32)
    for i in range(TBUF // 16):
        tie_v[pl.ds(i * 16, 16)] = jnp.full((16,), 1 << 20, jnp.int32)

    cnt_v[pl.ds(0, 16)] = jnp.zeros((16,), jnp.int32)
    cnt_v[pl.ds(16, 16)] = jnp.zeros((16,), jnp.int32)
    half_base = (wid % 2) * (N // 2) * N

    one = jnp.full((16,), 1, jnp.int32)
    zero = jnp.zeros((16,), jnp.int32)

    def win_body(wi, _):
        pltpu.sync_copy(sk_hbm.at[wid, pl.ds(wi * WR, WR)], win_v)

        def row_body(r, _):
            row_base = half_base + (wi * WR + r) * N

            def vec_body(j, _):
                k = win_v[r, pl.ds(j * 16, 16)]
                idxv = jnp.full((16,), row_base + j * 16, jnp.int32) + iota
                gc = cnt_v[pl.ds(0, 16)]
                tc = cnt_v[pl.ds(16, 16)]
                m_gt = k > t
                cs = plsc.cumsum(jnp.where(m_gt, one, zero))
                pc = plsc.all_reduce_population_count(m_gt)
                pos = gc + cs - 1
                plsc.store_scatter(gti_v, [pos], idxv, mask=m_gt)
                plsc.store_scatter(gtk_v, [pos], k, mask=m_gt)
                m_eq = (k == t) & (tc < TBUF - 16)
                cse = plsc.cumsum(jnp.where(m_eq, one, zero))
                pe = plsc.all_reduce_population_count(m_eq)
                plsc.store_scatter(tie_v, [tc + cse - 1], idxv, mask=m_eq)
                cnt_v[pl.ds(0, 16)] = gc + pc
                cnt_v[pl.ds(16, 16)] = tc + pe
                return 0

            return lax.fori_loop(0, N // 16, vec_body, 0)

        return lax.fori_loop(0, WR, row_body, 0)

    lax.fori_loop(0, (N // 2) // WR, win_body, 0)

    pltpu.sync_copy(gti_v, gti_hbm.at[wid])
    pltpu.sync_copy(gtk_v, gtk_hbm.at[wid])
    pltpu.sync_copy(tie_v, tie_hbm.at[wid])


def _sc_call(sk32, tvec):
    mesh = plsc.VectorSubcoreMesh(core_axis_name="c", subcore_axis_name="s")
    f = functools.partial(
        pl.kernel,
        mesh=mesh,
        compiler_params=pltpu.CompilerParams(
            needs_layout_passes=False, use_tc_tiling_on_sc=False),
        out_type=[
            jax.ShapeDtypeStruct((NSUB, GBUF), jnp.int32),
            jax.ShapeDtypeStruct((NSUB, GBUF), jnp.int32),
            jax.ShapeDtypeStruct((NSUB, TBUF), jnp.int32),
        ],
        scratch_types=[
            pltpu.VMEM((WR, N), jnp.int32),
            pltpu.VMEM((16,), jnp.int32),
            pltpu.VMEM((GBUF,), jnp.int32),
            pltpu.VMEM((GBUF,), jnp.int32),
            pltpu.VMEM((TBUF,), jnp.int32),
            pltpu.VMEM((32,), jnp.int32),
        ],
    )(_sc_body)
    return f(sk32, tvec)


P = 2 * (GBUF + TBUF)
JC = 384


def _select_body(krow_ref, kcol_ref, irow_ref, icol_ref, subf_ref, objf_ref,
                 w1a, w1b, b1, w2, b2, out_ref):
    kr = krow_ref[...]
    ir = irow_ref[...]
    rank = jnp.zeros((1, P), jnp.int32)
    for jc in range(P // JC):
        kc = lax.slice(kcol_ref[...], (jc * JC, 0), ((jc + 1) * JC, 1))
        ic = lax.slice(icol_ref[...], (jc * JC, 0), ((jc + 1) * JC, 1))
        beats = (kc > kr) | ((kc == kr) & (ic < ir))
        rank = rank + jnp.sum(beats.astype(jnp.int32), axis=0, keepdims=True)

    iota_r = lax.broadcasted_iota(jnp.int32, (K, P), 0)
    oh = iota_r == rank
    irf = ir.astype(jnp.float32)
    sel = jnp.sum(jnp.where(oh, jnp.broadcast_to(irf, (K, P)), 0.0), axis=1)

    sel_i = sel.astype(jnp.int32)
    sub_pos = sel_i // N
    obj_pos = sel_i - sub_pos * N

    oh_s = (sub_pos[:, None]
            == lax.broadcasted_iota(jnp.int32, (K, N), 1)).astype(jnp.float32)
    oh_o = (obj_pos[:, None]
            == lax.broadcasted_iota(jnp.int32, (K, N), 1)).astype(jnp.float32)
    dn = (((1,), (0,)), ((), ()))
    sel_sub = lax.dot_general(oh_s, subf_ref[...], dn)
    sel_obj = lax.dot_general(oh_o, objf_ref[...], dn)

    dt = (((1,), (1,)), ((), ()))
    h = jnp.maximum(lax.dot_general(sel_sub, w1a[...], dt)
                    + lax.dot_general(sel_obj, w1b[...], dt) + b1[...], 0.0)
    out_ref[...] = lax.dot_general(h, w2[...], dt) + b2[...]


def _select_call(krow, kcol, irow, icol, subf, objf, w1a, w1b, b1, w2, b2):
    full = lambda s: pl.BlockSpec(s, lambda b: (0,) * len(s))
    return pl.pallas_call(
        _select_body,
        grid=(B,),
        in_specs=[
            pl.BlockSpec((None, 1, P), lambda b: (b, 0, 0)),
            pl.BlockSpec((None, P, 1), lambda b: (b, 0, 0)),
            pl.BlockSpec((None, 1, P), lambda b: (b, 0, 0)),
            pl.BlockSpec((None, P, 1), lambda b: (b, 0, 0)),
            pl.BlockSpec((None, N, D), lambda b: (b, 0, 0)),
            pl.BlockSpec((None, N, D), lambda b: (b, 0, 0)),
            full((D, D)), full((D, D)), full((1, D)),
            full((D, D)), full((1, D)),
        ],
        out_specs=pl.BlockSpec((None, K, D), lambda b: (b, 0, 0)),
        out_shape=jax.ShapeDtypeStruct((B, K, D), jnp.float32),
    )(krow, kcol, irow, icol, subf, objf, w1a, w1b, b1, w2, b2)


def kernel(hs_last, w_sub1, b_sub1, w_sub2, b_sub2, w_obj1, b_obj1,
           w_obj2, b_obj2, conv1_w, conv1_b, conv2_w, conv2_b,
           w_pair1, b_pair1, w_pair2, b_pair2):
    hs_pair = hs_last.reshape(B, N, 2, D)
    subf = hs_pair[:, :, 0, :]
    objf = hs_pair[:, :, 1, :]

    imp = _mlp_call(
        subf, objf,
        w_sub1, b_sub1.reshape(1, D), w_sub2, b_sub2.reshape(1, D),
        w_obj1, b_obj1.reshape(1, D), w_obj2, b_obj2.reshape(1, D))
    skeys = _conv_call(imp, conv1_w.reshape(16, 9), conv1_b,
                       conv2_w.reshape(16), conv2_b)

    t16 = _thresh_call(skeys)
    tvec = jnp.repeat(t16, 2, axis=0)
    sk32 = skeys.reshape(NSUB, N // 2, N)

    gti, gtk, tie = _sc_call(sk32, tvec)

    ts = t16[:, 0]
    ck = jnp.concatenate(
        [gtk.reshape(B, 2 * GBUF),
         jnp.broadcast_to(ts[:, None], (B, 2 * TBUF))], axis=1)
    ci = jnp.concatenate(
        [gti.reshape(B, 2 * GBUF), tie.reshape(B, 2 * TBUF)], axis=1)

    return _select_call(
        ck[:, None, :], ck[:, :, None], ci[:, None, :], ci[:, :, None],
        subf, objf,
        w_pair1[:, :D], w_pair1[:, D:], b_pair1.reshape(1, D),
        w_pair2, b_pair2.reshape(1, D))

# --- scband reference (transcript-rebuilt; emitter-appended) ---
"""Pipeline reference for scband-human-object-pair-learner-86346022519218 (READ-ONLY COPY).

The authoritative reference and input builder live on the scoring server;
editing this copy changes nothing except your own understanding.
"""

import jax, jax.numpy as jnp
import numpy as np

B, Q, D, KPAIR = 16, 1024, 256, 256


def _lin_init(k, fin, fout):
    s = 1.0 / np.sqrt(fin)
    kw, kb = jax.random.split(k)
    w = jax.random.uniform(kw, (fout, fin), minval=-s, maxval=s, dtype=jnp.float32)
    b = jax.random.uniform(kb, (fout,), minval=-s, maxval=s, dtype=jnp.float32)
    return w, b


def setup_inputs(seed: int = 0) -> dict:
    key = jax.random.key(seed)
    ks = jax.random.split(key, 12)
    inp = {}
    inp['hs_last'] = jax.random.normal(ks[0], (B, Q, D), dtype=jnp.float32)
    inp['w_sub1'], inp['b_sub1'] = _lin_init(ks[1], D, D)
    inp['w_sub2'], inp['b_sub2'] = _lin_init(ks[2], D, D)
    inp['w_obj1'], inp['b_obj1'] = _lin_init(ks[3], D, D)
    inp['w_obj2'], inp['b_obj2'] = _lin_init(ks[4], D, D)
    s1 = 1.0 / np.sqrt(1 * 9)
    inp['conv1_w'] = jax.random.uniform(ks[5], (16, 1, 3, 3), minval=-s1, maxval=s1, dtype=jnp.float32)
    inp['conv1_b'] = jax.random.uniform(ks[6], (16,), minval=-s1, maxval=s1, dtype=jnp.float32)
    s2 = 1.0 / np.sqrt(16 * 1)
    inp['conv2_w'] = jax.random.uniform(ks[7], (1, 16, 1, 1), minval=-s2, maxval=s2, dtype=jnp.float32)
    inp['conv2_b'] = jax.random.uniform(ks[8], (1,), minval=-s2, maxval=s2, dtype=jnp.float32)
    inp['w_pair1'], inp['b_pair1'] = _lin_init(ks[9], 2 * D, D)
    inp['w_pair2'], inp['b_pair2'] = _lin_init(ks[10], D, D)
    return inp


def reference(hs_last, w_sub1, b_sub1, w_sub2, b_sub2, w_obj1, b_obj1, w_obj2, b_obj2,
              conv1_w, conv1_b, conv2_w, conv2_b, w_pair1, b_pair1, w_pair2, b_pair2):
    Bb, Qn, C = hs_last.shape
    N = Qn // 2
    hs_pair = hs_last.reshape(Bb, N, 2, C)
    sub_feat = hs_pair[:, :, 0, :]
    obj_feat = hs_pair[:, :, 1, :]
    sub_emb = jax.nn.relu(sub_feat @ w_sub1.T + b_sub1) @ w_sub2.T + b_sub2
    obj_emb = jax.nn.relu(obj_feat @ w_obj1.T + b_obj1) @ w_obj2.T + b_obj2
    sub_emb = sub_emb / (jnp.linalg.norm(sub_emb, axis=-1, keepdims=True) + 1e-6)
    obj_emb = obj_emb / (jnp.linalg.norm(obj_emb, axis=-1, keepdims=True) + 1e-6)
    importance = jnp.einsum('bnc,bmc->bnm', sub_emb, obj_emb)
    x = importance[:, None, :, :]
    dn = ('NCHW', 'OIHW', 'NCHW')
    x = jax.lax.conv_general_dilated(x, conv1_w, (1, 1), 'SAME', dimension_numbers=dn) + conv1_b[None, :, None, None]
    x = jax.nn.relu(x)
    x = jax.lax.conv_general_dilated(x, conv2_w, (1, 1), 'SAME', dimension_numbers=dn) + conv2_b[None, :, None, None]
    importance = x[:, 0, :, :]
    K = min(KPAIR, N * N)
    flat = importance.reshape(Bb, N * N)
    _, topk_idx = jax.lax.top_k(flat, K)
    sub_pos = topk_idx // N
    obj_pos = topk_idx % N
    sel_sub = jnp.take_along_axis(sub_feat, sub_pos[:, :, None], axis=1)
    sel_obj = jnp.take_along_axis(obj_feat, obj_pos[:, :, None], axis=1)
    pair_feat = jnp.concatenate([sel_sub, sel_obj], axis=-1)
    pair_q = jax.nn.relu(pair_feat @ w_pair1.T + b_pair1) @ w_pair2.T + b_pair2
    return pair_q

if __name__ == "__main__":
    import jax
    _d = setup_inputs()
    print(jax.jit(kernel)(*tuple(_d.values())))

</pallas_src>

<mosaic_0001>
#map = affine_map<(d0, d1) -> (0, 0, 0)>
#map1 = affine_map<(d0, d1) -> (0, 0)>
module attributes {stable_mosaic.version = 14 : i64} {
  func.func @_sc_body(%arg0: i32, %arg1: i32, %arg2: memref<32x256x512xi32, #tpu.memory_space<hbm>>, %arg3: memref<32x16xi32, #tpu.memory_space<hbm>>, %arg4: memref<32x256xi32, #tpu.memory_space<hbm>>, %arg5: memref<32x256xi32, #tpu.memory_space<hbm>>, %arg6: memref<32x512xi32, #tpu.memory_space<hbm>>, %arg7: memref<32x512xi32, #tpu.memory_space<vmem>>, %arg8: memref<16xi32, #tpu.memory_space<vmem>>, %arg9: memref<256xi32, #tpu.memory_space<vmem>>, %arg10: memref<256xi32, #tpu.memory_space<vmem>>, %arg11: memref<512xi32, #tpu.memory_space<vmem>>, %arg12: memref<32xi32, #tpu.memory_space<vmem>>) attributes {dimension_semantics = [#tpu.dimension_semantics<core_parallel>, #tpu.dimension_semantics<subcore_parallel>], iteration_bounds = array<i64: 2, 16>, scalar_prefetch = 0 : i64, scratch_operands = 6 : i64, tpu.core_type = #tpu.core_type<sc_vector_subcore>, window_params = [{transform_indices = #map}, {transform_indices = #map1}, {transform_indices = #map1}, {transform_indices = #map1}, {transform_indices = #map1}]} {
    %mul3A = arith.constant 2 : i32
    %mul3A_0 = arith.muli %arg1, %mul3A : i32
    %add3A = arith.addi %mul3A_0, %arg0 : i32
    "tpu.region"() ({
      %run_scoped3A = tpu.sem_alloc : memref<!tpu.dma_semaphore, #tpu.memory_space<semaphore_mem>>
      %dma_start3A = arith.constant 0 : i32
      %dma_start3A_287 = tpu.memref_slice %arg3[%add3A, %dma_start3A] : memref<32x16xi32, #tpu.memory_space<hbm>> -> memref<1x16xi32, #tpu.memory_space<hbm>>
      %dma_start3A_288 = tpu.memref_squeeze %dma_start3A_287 : memref<1x16xi32, #tpu.memory_space<hbm>> -> memref<16xi32, #tpu.memory_space<hbm>>
      %dma_start3A_289 = arith.constant 0 : i32
      %dma_start3A_290 = tpu.memref_slice %arg3[%add3A, %dma_start3A_289] : memref<32x16xi32, #tpu.memory_space<hbm>> -> memref<1x16xi32, #tpu.memory_space<hbm>>
      %dma_start3A_291 = tpu.memref_squeeze %dma_start3A_290 : memref<1x16xi32, #tpu.memory_space<hbm>> -> memref<16xi32, #tpu.memory_space<hbm>>
      tpu.enqueue_dma source(%dma_start3A_291 : memref<16xi32, #tpu.memory_space<hbm>>) target(%arg8 : memref<16xi32, #tpu.memory_space<vmem>>) target_semaphore(%run_scoped3A : memref<!tpu.dma_semaphore, #tpu.memory_space<semaphore_mem>>)
      %dma_wait3A = arith.constant 0 : i32
      %dma_wait3A_292 = tpu.memref_slice %arg3[%add3A, %dma_wait3A] : memref<32x16xi32, #tpu.memory_space<hbm>> -> memref<1x16xi32, #tpu.memory_space<hbm>>
      %dma_wait3A_293 = tpu.memref_squeeze %dma_wait3A_292 : memref<1x16xi32, #tpu.memory_space<hbm>> -> memref<16xi32, #tpu.memory_space<hbm>>
      %dma_wait3A_294 = arith.constant 0 : i32
      %dma_wait3A_295 = tpu.memref_slice %arg3[%add3A, %dma_wait3A_294] : memref<32x16xi32, #tpu.memory_space<hbm>> -> memref<1x16xi32, #tpu.memory_space<hbm>>
      %dma_wait3A_296 = tpu.memref_squeeze %dma_wait3A_295 : memref<1x16xi32, #tpu.memory_space<hbm>> -> memref<16xi32, #tpu.memory_space<hbm>>
      tpu.wait_dma2 semaphore(%run_scoped3A : memref<!tpu.dma_semaphore, #tpu.memory_space<semaphore_mem>>) src(%dma_wait3A_296 : memref<16xi32, #tpu.memory_space<hbm>>) dst(%arg8 : memref<16xi32, #tpu.memory_space<vmem>>)
      tpu.yield
    }) : () -> ()
    %get3A = arith.constant 0 : index
    %get3A_1 = tpu.vector_load %arg8[%get3A] {strides = array<i32>} : memref<16xi32, #tpu.memory_space<vmem>>, vector<16xi32>,
    %iota3A = tpu.iota {dimensions = array<i32: 0>} : vector<16xi32>
    %broadcast_in_dim3A = arith.constant -2147483648 : i32
    %broadcast_in_dim3A_2 = vector.broadcast %broadcast_in_dim3A : i32 to vector<16xi32>
    %swap3A = arith.constant 0 : index
    %swap3A_3 = tpu.vector_load %arg10[%swap3A] {strides = array<i32>} : memref<256xi32, #tpu.memory_space<vmem>>, vector<16xi32>,
    tpu.vector_store %arg10[%swap3A], %broadcast_in_dim3A_2 {strides = array<i32>} : memref<256xi32, #tpu.memory_space<vmem>>, vector<16xi32>,
    %broadcast_in_dim3A_4 = arith.constant 0 : i32
    %broadcast_in_dim3A_5 = vector.broadcast %broadcast_in_dim3A_4 : i32 to vector<16xi32>
    %swap3A_6 = arith.constant 0 : index
    %swap3A_7 = tpu.vector_load %arg9[%swap3A_6] {strides = array<i32>} : memref<256xi32, #tpu.memory_space<vmem>>, vector<16xi32>,
    tpu.vector_store %arg9[%swap3A_6], %broadcast_in_dim3A_5 {strides = array<i32>} : memref<256xi32, #tpu.memory_space<vmem>>, vector<16xi32>,
    %broadcast_in_dim3A_8 = arith.constant -2147483648 : i32
    %broadcast_in_dim3A_9 = vector.broadcast %broadcast_in_dim3A_8 : i32 to vector<16xi32>
    %swap3A_10 = arith.constant 16 : index
    %swap3A_11 = tpu.vector_load %arg10[%swap3A_10] {strides = array<i32>} : memref<256xi32, #tpu.memory_space<vmem>>, vector<16xi32>,
    tpu.vector_store %arg10[%swap3A_10], %broadcast_in_dim3A_9 {strides = array<i32>} : memref<256xi32, #tpu.memory_space<vmem>>, vector<16xi32>,
    %broadcast_in_dim3A_12 = arith.constant 0 : i32
    %broadcast_in_dim3A_13 = vector.broadcast %broadcast_in_dim3A_12 : i32 to vector<16xi32>
    %swap3A_14 = arith.constant 16 : index
    %swap3A_15 = tpu.vector_load %arg9[%swap3A_14] {strides = array<i32>} : memref<256xi32, #tpu.memory_space<vmem>>, vector<16xi32>,
    tpu.vector_store %arg9[%swap3A_14], %broadcast_in_dim3A_13 {strides = array<i32>} : memref<256xi32, #tpu.memory_space<vmem>>, vector<16xi32>,
    %broadcast_in_dim3A_16 = arith.constant -2147483648 : i32
    %broadcast_in_dim3A_17 = vector.broadcast %broadcast_in_dim3A_16 : i32 to vector<16xi32>
    %swap3A_18 = arith.constant 32 : index
    %swap3A_19 = tpu.vector_load %arg10[%swap3A_18] {strides = array<i32>} : memref<256xi32, #tpu.memory_space<vmem>>, vector<16xi32>,
    tpu.vector_store %arg10[%swap3A_18], %broadcast_in_dim3A_17 {strides = array<i32>} : memref<256xi32, #tpu.memory_space<vmem>>, vector<16xi32>,
    %broadcast_in_dim3A_20 = arith.constant 0 : i32
    %broadcast_in_dim3A_21 = vector.broadcast %broadcast_in_dim3A_20 : i32 to vector<16xi32>
    %swap3A_22 = arith.constant 32 : index
    %swap3A_23 = tpu.vector_load %arg9[%swap3A_22] {strides = array<i32>} : memref<256xi32, #tpu.memory_space<vmem>>, vector<16xi32>,
    tpu.vector_store %arg9[%swap3A_22], %broadcast_in_dim3A_21 {strides = array<i32>} : memref<256xi32, #tpu.memory_space<vmem>>, vector<16xi32>,
    %broadcast_in_dim3A_24 = arith.constant -2147483648 : i32
    %broadcast_in_dim3A_25 = vector.broadcast %broadcast_in_dim3A_24 : i32 to vector<16xi32>
    %swap3A_26 = arith.constant 48 : index
    %swap3A_27 = tpu.vector_load %arg10[%swap3A_26] {strides = array<i32>} : memref<256xi32, #tpu.memory_space<vmem>>, vector<16xi32>,
    tpu.vector_store %arg10[%swap3A_26], %broadcast_in_dim3A_25 {strides = array<i32>} : memref<256xi32, #tpu.memory_space<vmem>>, vector<16xi32>,
    %broadcast_in_dim3A_28 = arith.constant 0 : i32
    %broadcast_in_dim3A_29 = vector.broadcast %broadcast_in_dim3A_28 : i32 to vector<16xi32>
    %swap3A_30 = arith.constant 48 : index
    %swap3A_31 = tpu.vector_load %arg9[%swap3A_30] {strides = array<i32>} : memref<256xi32, #tpu.memory_space<vmem>>, vector<16xi32>,
    tpu.vector_store %arg9[%swap3A_30], %broadcast_in_dim3A_29 {strides = array<i32>} : memref<256xi32, #tpu.memory_space<vmem>>, vector<16xi32>,
    %broadcast_in_dim3A_32 = arith.constant -2147483648 : i32
    %broadcast_in_dim3A_33 = vector.broadcast %broadcast_in_dim3A_32 : i32 to vector<16xi32>
    %swap3A_34 = arith.constant 64 : index
    %swap3A_35 = tpu.vector_load %arg10[%swap3A_34] {strides = array<i32>} : memref<256xi32, #tpu.memory_space<vmem>>, vector<16xi32>,
    tpu.vector_store %arg10[%swap3A_34], %broadcast_in_dim3A_33 {strides = array<i32>} : memref<256xi32, #tpu.memory_space<vmem>>, vector<16xi32>,
    %broadcast_in_dim3A_36 = arith.constant 0 : i32
    %broadcast_in_dim3A_37 = vector.broadcast %broadcast_in_dim3A_36 : i32 to vector<16xi32>
    %swap3A_38 = arith.constant 64 : index
    %swap3A_39 = tpu.vector_load %arg9[%swap3A_38] {strides = array<i32>} : memref<256xi32, #tpu.memory_space<vmem>>, vector<16xi32>,
    tpu.vector_store %arg9[%swap3A_38], %broadcast_in_dim3A_37 {strides = array<i32>} : memref<256xi32, #tpu.memory_space<vmem>>, vector<16xi32>,
    %broadcast_in_dim3A_40 = arith.constant -2147483648 : i32
    %broadcast_in_dim3A_41 = vector.broadcast %broadcast_in_dim3A_40 : i32 to vector<16xi32>
    %swap3A_42 = arith.constant 80 : index
    %swap3A_43 = tpu.vector_load %arg10[%swap3A_42] {strides = array<i32>} : memref<256xi32, #tpu.memory_space<vmem>>, vector<16xi32>,
    tpu.vector_store %arg10[%swap3A_42], %broadcast_in_dim3A_41 {strides = array<i32>} : memref<256xi32, #tpu.memory_space<vmem>>, vector<16xi32>,
    %broadcast_in_dim3A_44 = arith.constant 0 : i32
    %broadcast_in_dim3A_45 = vector.broadcast %broadcast_in_dim3A_44 : i32 to vector<16xi32>
    %swap3A_46 = arith.constant 80 : index
    %swap3A_47 = tpu.vector_load %arg9[%swap3A_46] {strides = array<i32>} : memref<256xi32, #tpu.memory_space<vmem>>, vector<16xi32>,
    tpu.vector_store %arg9[%swap3A_46], %broadcast_in_dim3A_45 {strides = array<i32>} : memref<256xi32, #tpu.memory_space<vmem>>, vector<16xi32>,
    %broadcast_in_dim3A_48 = arith.constant -2147483648 : i32
    %broadcast_in_dim3A_49 = vector.broadcast %broadcast_in_dim3A_48 : i32 to vector<16xi32>
    %swap3A_50 = arith.constant 96 : index
    %swap3A_51 = tpu.vector_load %arg10[%swap3A_50] {strides = array<i32>} : memref<256xi32, #tpu.memory_space<vmem>>, vector<16xi32>,
    tpu.vector_store %arg10[%swap3A_50], %broadcast_in_dim3A_49 {strides = array<i32>} : memref<256xi32, #tpu.memory_space<vmem>>, vector<16xi32>,
    %broadcast_in_dim3A_52 = arith.constant 0 : i32
    %broadcast_in_dim3A_53 = vector.broadcast %broadcast_in_dim3A_52 : i32 to vector<16xi32>
    %swap3A_54 = arith.constant 96 : index
    %swap3A_55 = tpu.vector_load %arg9[%swap3A_54] {strides = array<i32>} : memref<256xi32, #tpu.memory_space<vmem>>, vector<16xi32>,
    tpu.vector_store %arg9[%swap3A_54], %broadcast_in_dim3A_53 {strides = array<i32>} : memref<256xi32, #tpu.memory_space<vmem>>, vector<16xi32>,
    %broadcast_in_dim3A_56 = arith.constant -2147483648 : i32
    %broadcast_in_dim3A_57 = vector.broadcast %broadcast_in_dim3A_56 : i32 to vector<16xi32>
    %swap3A_58 = arith.constant 112 : index
    %swap3A_59 = tpu.vector_load %arg10[%swap3A_58] {strides = array<i32>} : memref<256xi32, #tpu.memory_space<vmem>>, vector<16xi32>,
    tpu.vector_store %arg10[%swap3A_58], %broadcast_in_dim3A_57 {strides = array<i32>} : memref<256xi32, #tpu.memory_space<vmem>>, vector<16xi32>,
    %broadcast_in_dim3A_60 = arith.constant 0 : i32
    %broadcast_in_dim3A_61 = vector.broadcast %broadcast_in_dim3A_60 : i32 to vector<16xi32>
    %swap3A_62 = arith.constant 112 : index
    %swap3A_63 = tpu.vector_load %arg9[%swap3A_62] {strides = array<i32>} : memref<256xi32, #tpu.memory_space<vmem>>, vector<16xi32>,
    tpu.vector_store %arg9[%swap3A_62], %broadcast_in_dim3A_61 {strides = array<i32>} : memref<256xi32, #tpu.memory_space<vmem>>, vector<16xi32>,
    %broadcast_in_dim3A_64 = arith.constant -2147483648 : i32
    %broadcast_in_dim3A_65 = vector.broadcast %broadcast_in_dim3A_64 : i32 to vector<16xi32>
    %swap3A_66 = arith.constant 128 : index
    %swap3A_67 = tpu.vector_load %arg10[%swap3A_66] {strides = array<i32>} : memref<256xi32, #tpu.memory_space<vmem>>, vector<16xi32>,
    tpu.vector_store %arg10[%swap3A_66], %broadcast_in_dim3A_65 {strides = array<i32>} : memref<256xi32, #tpu.memory_space<vmem>>, vector<16xi32>,
    %broadcast_in_dim3A_68 = arith.constant 0 : i32
    %broadcast_in_dim3A_69 = vector.broadcast %broadcast_in_dim3A_68 : i32 to vector<16xi32>
    %swap3A_70 = arith.constant 128 : index
    %swap3A_71 = tpu.vector_load %arg9[%swap3A_70] {strides = array<i32>} : memref<256xi32, #tpu.memory_space<vmem>>, vector<16xi32>,
    tpu.vector_store %arg9[%swap3A_70], %broadcast_in_dim3A_69 {strides = array<i32>} : memref<256xi32, #tpu.memory_space<vmem>>, vector<16xi32>,
    %broadcast_in_dim3A_72 = arith.constant -2147483648 : i32
    %broadcast_in_dim3A_73 = vector.broadcast %broadcast_in_dim3A_72 : i32 to vector<16xi32>
    %swap3A_74 = arith.constant 144 : index
    %swap3A_75 = tpu.vector_load %arg10[%swap3A_74] {strides = array<i32>} : memref<256xi32, #tpu.memory_space<vmem>>, vector<16xi32>,
    tpu.vector_store %arg10[%swap3A_74], %broadcast_in_dim3A_73 {strides = array<i32>} : memref<256xi32, #tpu.memory_space<vmem>>, vector<16xi32>,
    %broadcast_in_dim3A_76 = arith.constant 0 : i32
    %broadcast_in_dim3A_77 = vector.broadcast %broadcast_in_dim3A_76 : i32 to vector<16xi32>
    %swap3A_78 = arith.constant 144 : index
    %swap3A_79 = tpu.vector_load %arg9[%swap3A_78] {strides = array<i32>} : memref<256xi32, #tpu.memory_space<vmem>>, vector<16xi32>,
    tpu.vector_store %arg9[%swap3A_78], %broadcast_in_dim3A_77 {strides = array<i32>} : memref<256xi32, #tpu.memory_space<vmem>>, vector<16xi32>,
    %broadcast_in_dim3A_80 = arith.constant -2147483648 : i32
    %broadcast_in_dim3A_81 = vector.broadcast %broadcast_in_dim3A_80 : i32 to vector<16xi32>
    %swap3A_82 = arith.constant 160 : index
    %swap3A_83 = tpu.vector_load %arg10[%swap3A_82] {strides = array<i32>} : memref<256xi32, #tpu.memory_space<vmem>>, vector<16xi32>,
    tpu.vector_store %arg10[%swap3A_82], %broadcast_in_dim3A_81 {strides = array<i32>} : memref<256xi32, #tpu.memory_space<vmem>>, vector<16xi32>,
    %broadcast_in_dim3A_84 = arith.constant 0 : i32
    %broadcast_in_dim3A_85 = vector.broadcast %broadcast_in_dim3A_84 : i32 to vector<16xi32>
    %swap3A_86 = arith.constant 160 : index
    %swap3A_87 = tpu.vector_load %arg9[%swap3A_86] {strides = array<i32>} : memref<256xi32, #tpu.memory_space<vmem>>, vector<16xi32>,
    tpu.vector_store %arg9[%swap3A_86], %broadcast_in_dim3A_85 {strides = array<i32>} : memref<256xi32, #tpu.memory_space<vmem>>, vector<16xi32>,
    %broadcast_in_dim3A_88 = arith.constant -2147483648 : i32
    %broadcast_in_dim3A_89 = vector.broadcast %broadcast_in_dim3A_88 : i32 to vector<16xi32>
    %swap3A_90 = arith.constant 176 : index
    %swap3A_91 = tpu.vector_load %arg10[%swap3A_90] {strides = array<i32>} : memref<256xi32, #tpu.memory_space<vmem>>, vector<16xi32>,
    tpu.vector_store %arg10[%swap3A_90], %broadcast_in_dim3A_89 {strides = array<i32>} : memref<256xi32, #tpu.memory_space<vmem>>, vector<16xi32>,
    %broadcast_in_dim3A_92 = arith.constant 0 : i32
    %broadcast_in_dim3A_93 = vector.broadcast %broadcast_in_dim3A_92 : i32 to vector<16xi32>
    %swap3A_94 = arith.constant 176 : index
    %swap3A_95 = tpu.vector_load %arg9[%swap3A_94] {strides = array<i32>} : memref<256xi32, #tpu.memory_space<vmem>>, vector<16xi32>,
    tpu.vector_store %arg9[%swap3A_94], %broadcast_in_dim3A_93 {strides = array<i32>} : memref<256xi32, #tpu.memory_space<vmem>>, vector<16xi32>,
    %broadcast_in_dim3A_96 = arith.constant -2147483648 : i32
    %broadcast_in_dim3A_97 = vector.broadcast %broadcast_in_dim3A_96 : i32 to vector<16xi32>
    %swap3A_98 = arith.constant 192 : index
    %swap3A_99 = tpu.vector_load %arg10[%swap3A_98] {strides = array<i32>} : memref<256xi32, #tpu.memory_space<vmem>>, vector<16xi32>,
    tpu.vector_store %arg10[%swap3A_98], %broadcast_in_dim3A_97 {strides = array<i32>} : memref<256xi32, #tpu.memory_space<vmem>>, vector<16xi32>,
    %broadcast_in_dim3A_100 = arith.constant 0 : i32
    %broadcast_in_dim3A_101 = vector.broadcast %broadcast_in_dim3A_100 : i32 to vector<16xi32>
    %swap3A_102 = arith.constant 192 : index
    %swap3A_103 = tpu.vector_load %arg9[%swap3A_102] {strides = array<i32>} : memref<256xi32, #tpu.memory_space<vmem>>, vector<16xi32>,
    tpu.vector_store %arg9[%swap3A_102], %broadcast_in_dim3A_101 {strides = array<i32>} : memref<256xi32, #tpu.memory_space<vmem>>, vector<16xi32>,
    %broadcast_in_dim3A_104 = arith.constant -2147483648 : i32
    %broadcast_in_dim3A_105 = vector.broadcast %broadcast_in_dim3A_104 : i32 to vector<16xi32>
    %swap3A_106 = arith.constant 208 : index
    %swap3A_107 = tpu.vector_load %arg10[%swap3A_106] {strides = array<i32>} : memref<256xi32, #tpu.memory_space<vmem>>, vector<16xi32>,
    tpu.vector_store %arg10[%swap3A_106], %broadcast_in_dim3A_105 {strides = array<i32>} : memref<256xi32, #tpu.memory_space<vmem>>, vector<16xi32>,
    %broadcast_in_dim3A_108 = arith.constant 0 : i32
    %broadcast_in_dim3A_109 = vector.broadcast %broadcast_in_dim3A_108 : i32 to vector<16xi32>
    %swap3A_110 = arith.constant 208 : index
    %swap3A_111 = tpu.vector_load %arg9[%swap3A_110] {strides = array<i32>} : memref<256xi32, #tpu.memory_space<vmem>>, vector<16xi32>,
    tpu.vector_store %arg9[%swap3A_110], %broadcast_in_dim3A_109 {strides = array<i32>} : memref<256xi32, #tpu.memory_space<vmem>>, vector<16xi32>,
    %broadcast_in_dim3A_112 = arith.constant -2147483648 : i32
    %broadcast_in_dim3A_113 = vector.broadcast %broadcast_in_dim3A_112 : i32 to vector<16xi32>
    %swap3A_114 = arith.constant 224 : index
    %swap3A_115 = tpu.vector_load %arg10[%swap3A_114] {strides = array<i32>} : memref<256xi32, #tpu.memory_space<vmem>>, vector<16xi32>,
    tpu.vector_store %arg10[%swap3A_114], %broadcast_in_dim3A_113 {strides = array<i32>} : memref<256xi32, #tpu.memory_space<vmem>>, vector<16xi32>,
    %broadcast_in_dim3A_116 = arith.constant 0 : i32
    %broadcast_in_dim3A_117 = vector.broadcast %broadcast_in_dim3A_116 : i32 to vector<16xi32>
    %swap3A_118 = arith.constant 224 : index
    %swap3A_119 = tpu.vector_load %arg9[%swap3A_118] {strides = array<i32>} : memref<256xi32, #tpu.memory_space<vmem>>, vector<16xi32>,
    tpu.vector_store %arg9[%swap3A_118], %broadcast_in_dim3A_117 {strides = array<i32>} : memref<256xi32, #tpu.memory_space<vmem>>, vector<16xi32>,
    %broadcast_in_dim3A_120 = arith.constant -2147483648 : i32
    %broadcast_in_dim3A_121 = vector.broadcast %broadcast_in_dim3A_120 : i32 to vector<16xi32>
    %swap3A_122 = arith.constant 240 : index
    %swap3A_123 = tpu.vector_load %arg10[%swap3A_122] {strides = array<i32>} : memref<256xi32, #tpu.memory_space<vmem>>, vector<16xi32>,
    tpu.vector_store %arg10[%swap3A_122], %broadcast_in_dim3A_121 {strides = array<i32>} : memref<256xi32, #tpu.memory_space<vmem>>, vector<16xi32>,
    %broadcast_in_dim3A_124 = arith.constant 0 : i32
    %broadcast_in_dim3A_125 = vector.broadcast %broadcast_in_dim3A_124 : i32 to vector<16xi32>
    %swap3A_126 = arith.constant 240 : index
    %swap3A_127 = tpu.vector_load %arg9[%swap3A_126] {strides = array<i32>} : memref<256xi32, #tpu.memory_space<vmem>>, vector<16xi32>,
    tpu.vector_store %arg9[%swap3A_126], %broadcast_in_dim3A_125 {strides = array<i32>} : memref<256xi32, #tpu.memory_space<vmem>>, vector<16xi32>,
    %broadcast_in_dim3A_128 = arith.constant 1048576 : i32
    %broadcast_in_dim3A_129 = vector.broadcast %broadcast_in_dim3A_128 : i32 to vector<16xi32>
    %swap3A_130 = arith.constant 0 : index
    %swap3A_131 = tpu.vector_load %arg11[%swap3A_130] {strides = array<i32>} : memref<512xi32, #tpu.memory_space<vmem>>, vector<16xi32>,
    tpu.vector_store %arg11[%swap3A_130], %broadcast_in_dim3A_129 {strides = array<i32>} : memref<512xi32, #tpu.memory_space<vmem>>, vector<16xi32>,
    %broadcast_in_dim3A_132 = arith.constant 1048576 : i32
    %broadcast_in_dim3A_133 = vector.broadcast %broadcast_in_dim3A_132 : i32 to vector<16xi32>
    %swap3A_134 = arith.constant 16 : index
    %swap3A_135 = tpu.vector_load %arg11[%swap3A_134] {strides = array<i32>} : memref<512xi32, #tpu.memory_space<vmem>>, vector<16xi32>,
    tpu.vector_store %arg11[%swap3A_134], %broadcast_in_dim3A_133 {strides = array<i32>} : memref<512xi32, #tpu.memory_space<vmem>>, vector<16xi32>,
    %broadcast_in_dim3A_136 = arith.constant 1048576 : i32
    %broadcast_in_dim3A_137 = vector.broadcast %broadcast_in_dim3A_136 : i32 to vector<16xi32>
    %swap3A_138 = arith.constant 32 : index
    %swap3A_139 = tpu.vector_load %arg11[%swap3A_138] {strides = array<i32>} : memref<512xi32, #tpu.memory_space<vmem>>, vector<16xi32>,
    tpu.vector_store %arg11[%swap3A_138], %broadcast_in_dim3A_137 {strides = array<i32>} : memref<512xi32, #tpu.memory_space<vmem>>, vector<16xi32>,
    %broadcast_in_dim3A_140 = arith.constant 1048576 : i32
    %broadcast_in_dim3A_141 = vector.broadcast %broadcast_in_dim3A_140 : i32 to vector<16xi32>
    %swap3A_142 = arith.constant 48 : index
    %swap3A_143 = tpu.vector_load %arg11[%swap3A_142] {strides = array<i32>} : memref<512xi32, #tpu.memory_space<vmem>>, vector<16xi32>,
    tpu.vector_store %arg11[%swap3A_142], %broadcast_in_dim3A_141 {strides = array<i32>} : memref<512xi32, #tpu.memory_space<vmem>>, vector<16xi32>,
    %broadcast_in_dim3A_144 = arith.constant 1048576 : i32
    %broadcast_in_dim3A_145 = vector.broadcast %broadcast_in_dim3A_144 : i32 to vector<16xi32>
    %swap3A_146 = arith.constant 64 : index
    %swap3A_147 = tpu.vector_load %arg11[%swap3A_146] {strides = array<i32>} : memref<512xi32, #tpu.memory_space<vmem>>, vector<16xi32>,
    tpu.vector_store %arg11[%swap3A_146], %broadcast_in_dim3A_145 {strides = array<i32>} : memref<512xi32, #tpu.memory_space<vmem>>, vector<16xi32>,
    %broadcast_in_dim3A_148 = arith.constant 1048576 : i32
    %broadcast_in_dim3A_149 = vector.broadcast %broadcast_in_dim3A_148 : i32 to vector<16xi32>
    %swap3A_150 = arith.constant 80 : index
    %swap3A_151 = tpu.vector_load %arg11[%swap3A_150] {strides = array<i32>} : memref<512xi32, #tpu.memory_space<vmem>>, vector<16xi32>,
    tpu.vector_store %arg11[%swap3A_150], %broadcast_in_dim3A_149 {strides = array<i32>} : memref<512xi32, #tpu.memory_space<vmem>>, vector<16xi32>,
    %broadcast_in_dim3A_152 = arith.constant 1048576 : i32
    %broadcast_in_dim3A_153 = vector.broadcast %broadcast_in_dim3A_152 : i32 to vector<16xi32>
    %swap3A_154 = arith.constant 96 : index
    %swap3A_155 = tpu.vector_load %arg11[%swap3A_154] {strides = array<i32>} : memref<512xi32, #tpu.memory_space<vmem>>, vector<16xi32>,
    tpu.vector_store %arg11[%swap3A_154], %broadcast_in_dim3A_153 {strides = array<i32>} : memref<512xi32, #tpu.memory_space<vmem>>, vector<16xi32>,
    %broadcast_in_dim3A_156 = arith.constant 1048576 : i32
    %broadcast_in_dim3A_157 = vector.broadcast %broadcast_in_dim3A_156 : i32 to vector<16xi32>
    %swap3A_158 = arith.constant 112 : index
    %swap3A_159 = tpu.vector_load %arg11[%swap3A_158] {strides = array<i32>} : memref<512xi32, #tpu.memory_space<vmem>>, vector<16xi32>,
    tpu.vector_store %arg11[%swap3A_158], %broadcast_in_dim3A_157 {strides = array<i32>} : memref<512xi32, #tpu.memory_space<vmem>>, vector<16xi32>,
    %broadcast_in_dim3A_160 = arith.constant 1048576 : i32
    %broadcast_in_dim3A_161 = vector.broadcast %broadcast_in_dim3A_160 : i32 to vector<16xi32>
    %swap3A_162 = arith.constant 128 : index
    %swap3A_163 = tpu.vector_load %arg11[%swap3A_162] {strides = array<i32>} : memref<512xi32, #tpu.memory_space<vmem>>, vector<16xi32>,
    tpu.vector_store %arg11[%swap3A_162], %broadcast_in_dim3A_161 {strides = array<i32>} : memref<512xi32, #tpu.memory_space<vmem>>, vector<16xi32>,
    %broadcast_in_dim3A_164 = arith.constant 1048576 : i32
    %broadcast_in_dim3A_165 = vector.broadcast %broadcast_in_dim3A_164 : i32 to vector<16xi32>
    %swap3A_166 = arith.constant 144 : index
    %swap3A_167 = tpu.vector_load %arg11[%swap3A_166] {strides = array<i32>} : memref<512xi32, #tpu.memory_space<vmem>>, vector<16xi32>,
    tpu.vector_store %arg11[%swap3A_166], %broadcast_in_dim3A_165 {strides = array<i32>} : memref<512xi32, #tpu.memory_space<vmem>>, vector<16xi32>,
    %broadcast_in_dim3A_168 = arith.constant 1048576 : i32
    %broadcast_in_dim3A_169 = vector.broadcast %broadcast_in_dim3A_168 : i32 to vector<16xi32>
    %swap3A_170 = arith.constant 160 : index
    %swap3A_171 = tpu.vector_load %arg11[%swap3A_170] {strides = array<i32>} : memref<512xi32, #tpu.memory_space<vmem>>, vector<16xi32>,
    tpu.vector_store %arg11[%swap3A_170], %broadcast_in_dim3A_169 {strides = array<i32>} : memref<512xi32, #tpu.memory_space<vmem>>, vector<16xi32>,
    %broadcast_in_dim3A_172 = arith.constant 1048576 : i32
    %broadcast_in_dim3A_173 = vector.broadcast %broadcast_in_dim3A_172 : i32 to vector<16xi32>
    %swap3A_174 = arith.constant 176 : index
    %swap3A_175 = tpu.vector_load %arg11[%swap3A_174] {strides = array<i32>} : memref<512xi32, #tpu.memory_space<vmem>>, vector<16xi32>,
    tpu.vector_store %arg11[%swap3A_174], %broadcast_in_dim3A_173 {strides = array<i32>} : memref<512xi32, #tpu.memory_space<vmem>>, vector<16xi32>,
    %broadcast_in_dim3A_176 = arith.constant 1048576 : i32
    %broadcast_in_dim3A_177 = vector.broadcast %broadcast_in_dim3A_176 : i32 to vector<16xi32>
    %swap3A_178 = arith.constant 192 : index
    %swap3A_179 = tpu.vector_load %arg11[%swap3A_178] {strides = array<i32>} : memref<512xi32, #tpu.memory_space<vmem>>, vector<16xi32>,
    tpu.vector_store %arg11[%swap3A_178], %broadcast_in_dim3A_177 {strides = array<i32>} : memref<512xi32, #tpu.memory_space<vmem>>, vector<16xi32>,
    %broadcast_in_dim3A_180 = arith.constant 1048576 : i32
    %broadcast_in_dim3A_181 = vector.broadcast %broadcast_in_dim3A_180 : i32 to vector<16xi32>
    %swap3A_182 = arith.constant 208 : index
    %swap3A_183 = tpu.vector_load %arg11[%swap3A_182] {strides = array<i32>} : memref<512xi32, #tpu.memory_space<vmem>>, vector<16xi32>,
    tpu.vector_store %arg11[%swap3A_182], %broadcast_in_dim3A_181 {strides = array<i32>} : memref<512xi32, #tpu.memory_space<vmem>>, vector<16xi32>,
    %broadcast_in_dim3A_184 = arith.constant 1048576 : i32
    %broadcast_in_dim3A_185 = vector.broadcast %broadcast_in_dim3A_184 : i32 to vector<16xi32>
    %swap3A_186 = arith.constant 224 : index
    %swap3A_187 = tpu.vector_load %arg11[%swap3A_186] {strides = array<i32>} : memref<512xi32, #tpu.memory_space<vmem>>, vector<16xi32>,
    tpu.vector_store %arg11[%swap3A_186], %broadcast_in_dim3A_185 {strides = array<i32>} : memref<512xi32, #tpu.memory_space<vmem>>, vector<16xi32>,
    %broadcast_in_dim3A_188 = arith.constant 1048576 : i32
    %broadcast_in_dim3A_189 = vector.broadcast %broadcast_in_dim3A_188 : i32 to vector<16xi32>
    %swap3A_190 = arith.constant 240 : index
    %swap3A_191 = tpu.vector_load %arg11[%swap3A_190] {strides = array<i32>} : memref<512xi32, #tpu.memory_space<vmem>>, vector<16xi32>,
    tpu.vector_store %arg11[%swap3A_190], %broadcast_in_dim3A_189 {strides = array<i32>} : memref<512xi32, #tpu.memory_space<vmem>>, vector<16xi32>,
    %broadcast_in_dim3A_192 = arith.constant 1048576 : i32
    %broadcast_in_dim3A_193 = vector.broadcast %broadcast_in_dim3A_192 : i32 to vector<16xi32>
    %swap3A_194 = arith.constant 256 : index
    %swap3A_195 = tpu.vector_load %arg11[%swap3A_194] {strides = array<i32>} : memref<512xi32, #tpu.memory_space<vmem>>, vector<16xi32>,
    tpu.vector_store %arg11[%swap3A_194], %broadcast_in_dim3A_193 {strides = array<i32>} : memref<512xi32, #tpu.memory_space<vmem>>, vector<16xi32>,
    %broadcast_in_dim3A_196 = arith.constant 1048576 : i32
    %broadcast_in_dim3A_197 = vector.broadcast %broadcast_in_dim3A_196 : i32 to vector<16xi32>
    %swap3A_198 = arith.constant 272 : index
    %swap3A_199 = tpu.vector_load %arg11[%swap3A_198] {strides = array<i32>} : memref<512xi32, #tpu.memory_space<vmem>>, vector<16xi32>,
    tpu.vector_store %arg11[%swap3A_198], %broadcast_in_dim3A_197 {strides = array<i32>} : memref<512xi32, #tpu.memory_space<vmem>>, vector<16xi32>,
    %broadcast_in_dim3A_200 = arith.constant 1048576 : i32
    %broadcast_in_dim3A_201 = vector.broadcast %broadcast_in_dim3A_200 : i32 to vector<16xi32>
    %swap3A_202 = arith.constant 288 : index
    %swap3A_203 = tpu.vector_load %arg11[%swap3A_202] {strides = array<i32>} : memref<512xi32, #tpu.memory_space<vmem>>, vector<16xi32>,
    tpu.vector_store %arg11[%swap3A_202], %broadcast_in_dim3A_201 {strides = array<i32>} : memref<512xi32, #tpu.memory_space<vmem>>, vector<16xi32>,
    %broadcast_in_dim3A_204 = arith.constant 1048576 : i32
    %broadcast_in_dim3A_205 = vector.broadcast %broadcast_in_dim3A_204 : i32 to vector<16xi32>
    %swap3A_206 = arith.constant 304 : index
    %swap3A_207 = tpu.vector_load %arg11[%swap3A_206] {strides = array<i32>} : memref<512xi32, #tpu.memory_space<vmem>>, vector<16xi32>,
    tpu.vector_store %arg11[%swap3A_206], %broadcast_in_dim3A_205 {strides = array<i32>} : memref<512xi32, #tpu.memory_space<vmem>>, vector<16xi32>,
    %broadcast_in_dim3A_208 = arith.constant 1048576 : i32
    %broadcast_in_dim3A_209 = vector.broadcast %broadcast_in_dim3A_208 : i32 to vector<16xi32>
    %swap3A_210 = arith.constant 320 : index
    %swap3A_211 = tpu.vector_load %arg11[%swap3A_210] {strides = array<i32>} : memref<512xi32, #tpu.memory_space<vmem>>, vector<16xi32>,
    tpu.vector_store %arg11[%swap3A_210], %broadcast_in_dim3A_209 {strides = array<i32>} : memref<512xi32, #tpu.memory_space<vmem>>, vector<16xi32>,
    %broadcast_in_dim3A_212 = arith.constant 1048576 : i32
    %broadcast_in_dim3A_213 = vector.broadcast %broadcast_in_dim3A_212 : i32 to vector<16xi32>
    %swap3A_214 = arith.constant 336 : index
    %swap3A_215 = tpu.vector_load %arg11[%swap3A_214] {strides = array<i32>} : memref<512xi32, #tpu.memory_space<vmem>>, vector<16xi32>,
    tpu.vector_store %arg11[%swap3A_214], %broadcast_in_dim3A_213 {strides = array<i32>} : memref<512xi32, #tpu.memory_space<vmem>>, vector<16xi32>,
    %broadcast_in_dim3A_216 = arith.constant 1048576 : i32
    %broadcast_in_dim3A_217 = vector.broadcast %broadcast_in_dim3A_216 : i32 to vector<16xi32>
    %swap3A_218 = arith.constant 352 : index
    %swap3A_219 = tpu.vector_load %arg11[%swap3A_218] {strides = array<i32>} : memref<512xi32, #tpu.memory_space<vmem>>, vector<16xi32>,
    tpu.vector_store %arg11[%swap3A_218], %broadcast_in_dim3A_217 {strides = array<i32>} : memref<512xi32, #tpu.memory_space<vmem>>, vector<16xi32>,
    %broadcast_in_dim3A_220 = arith.constant 1048576 : i32
    %broadcast_in_dim3A_221 = vector.broadcast %broadcast_in_dim3A_220 : i32 to vector<16xi32>
    %swap3A_222 = arith.constant 368 : index
    %swap3A_223 = tpu.vector_load %arg11[%swap3A_222] {strides = array<i32>} : memref<512xi32, #tpu.memory_space<vmem>>, vector<16xi32>,
    tpu.vector_store %arg11[%swap3A_222], %broadcast_in_dim3A_221 {strides = array<i32>} : memref<512xi32, #tpu.memory_space<vmem>>, vector<16xi32>,
    %broadcast_in_dim3A_224 = arith.constant 1048576 : i32
    %broadcast_in_dim3A_225 = vector.broadcast %broadcast_in_dim3A_224 : i32 to vector<16xi32>
    %swap3A_226 = arith.constant 384 : index
    %swap3A_227 = tpu.vector_load %arg11[%swap3A_226] {strides = array<i32>} : memref<512xi32, #tpu.memory_space<vmem>>, vector<16xi32>,
    tpu.vector_store %arg11[%swap3A_226], %broadcast_in_dim3A_225 {strides = array<i32>} : memref<512xi32, #tpu.memory_space<vmem>>, vector<16xi32>,
    %broadcast_in_dim3A_228 = arith.constant 1048576 : i32
    %broadcast_in_dim3A_229 = vector.broadcast %broadcast_in_dim3A_228 : i32 to vector<16xi32>
    %swap3A_230 = arith.constant 400 : index
    %swap3A_231 = tpu.vector_load %arg11[%swap3A_230] {strides = array<i32>} : memref<512xi32, #tpu.memory_space<vmem>>, vector<16xi32>,
    tpu.vector_store %arg11[%swap3A_230], %broadcast_in_dim3A_229 {strides = array<i32>} : memref<512xi32, #tpu.memory_space<vmem>>, vector<16xi32>,
    %broadcast_in_dim3A_232 = arith.constant 1048576 : i32
    %broadcast_in_dim3A_233 = vector.broadcast %broadcast_in_dim3A_232 : i32 to vector<16xi32>
    %swap3A_234 = arith.constant 416 : index
    %swap3A_235 = tpu.vector_load %arg11[%swap3A_234] {strides = array<i32>} : memref<512xi32, #tpu.memory_space<vmem>>, vector<16xi32>,
    tpu.vector_store %arg11[%swap3A_234], %broadcast_in_dim3A_233 {strides = array<i32>} : memref<512xi32, #tpu.memory_space<vmem>>, vector<16xi32>,
    %broadcast_in_dim3A_236 = arith.constant 1048576 : i32
    %broadcast_in_dim3A_237 = vector.broadcast %broadcast_in_dim3A_236 : i32 to vector<16xi32>
    %swap3A_238 = arith.constant 432 : index
    %swap3A_239 = tpu.vector_load %arg11[%swap3A_238] {strides = array<i32>} : memref<512xi32, #tpu.memory_space<vmem>>, vector<16xi32>,
    tpu.vector_store %arg11[%swap3A_238], %broadcast_in_dim3A_237 {strides = array<i32>} : memref<512xi32, #tpu.memory_space<vmem>>, vector<16xi32>,
    %broadcast_in_dim3A_240 = arith.constant 1048576 : i32
    %broadcast_in_dim3A_241 = vector.broadcast %broadcast_in_dim3A_240 : i32 to vector<16xi32>
    %swap3A_242 = arith.constant 448 : index
    %swap3A_243 = tpu.vector_load %arg11[%swap3A_242] {strides = array<i32>} : memref<512xi32, #tpu.memory_space<vmem>>, vector<16xi32>,
    tpu.vector_store %arg11[%swap3A_242], %broadcast_in_dim3A_241 {strides = array<i32>} : memref<512xi32, #tpu.memory_space<vmem>>, vector<16xi32>,
    %broadcast_in_dim3A_244 = arith.constant 1048576 : i32
    %broadcast_in_dim3A_245 = vector.broadcast %broadcast_in_dim3A_244 : i32 to vector<16xi32>
    %swap3A_246 = arith.constant 464 : index
    %swap3A_247 = tpu.vector_load %arg11[%swap3A_246] {strides = array<i32>} : memref<512xi32, #tpu.memory_space<vmem>>, vector<16xi32>,
    tpu.vector_store %arg11[%swap3A_246], %broadcast_in_dim3A_245 {strides = array<i32>} : memref<512xi32, #tpu.memory_space<vmem>>, vector<16xi32>,
    %broadcast_in_dim3A_248 = arith.constant 1048576 : i32
    %broadcast_in_dim3A_249 = vector.broadcast %broadcast_in_dim3A_248 : i32 to vector<16xi32>
    %swap3A_250 = arith.constant 480 : index
    %swap3A_251 = tpu.vector_load %arg11[%swap3A_250] {strides = array<i32>} : memref<512xi32, #tpu.memory_space<vmem>>, vector<16xi32>,
    tpu.vector_store %arg11[%swap3A_250], %broadcast_in_dim3A_249 {strides = array<i32>} : memref<512xi32, #tpu.memory_space<vmem>>, vector<16xi32>,
    %broadcast_in_dim3A_252 = arith.constant 1048576 : i32
    %broadcast_in_dim3A_253 = vector.broadcast %broadcast_in_dim3A_252 : i32 to vector<16xi32>
    %swap3A_254 = arith.constant 496 : index
    %swap3A_255 = tpu.vector_load %arg11[%swap3A_254] {strides = array<i32>} : memref<512xi32, #tpu.memory_space<vmem>>, vector<16xi32>,
    tpu.vector_store %arg11[%swap3A_254], %broadcast_in_dim3A_253 {strides = array<i32>} : memref<512xi32, #tpu.memory_space<vmem>>, vector<16xi32>,
    %broadcast_in_dim3A_256 = arith.constant 0 : i32
    %broadcast_in_dim3A_257 = vector.broadcast %broadcast_in_dim3A_256 : i32 to vector<16xi32>
    %swap3A_258 = arith.constant 0 : index
    %swap3A_259 = tpu.vector_load %arg12[%swap3A_258] {strides = array<i32>} : memref<32xi32, #tpu.memory_space<vmem>>, vector<16xi32>,
    tpu.vector_store %arg12[%swap3A_258], %broadcast_in_dim3A_257 {strides = array<i32>} : memref<32xi32, #tpu.memory_space<vmem>>, vector<16xi32>,
    %broadcast_in_dim3A_260 = arith.constant 0 : i32
    %broadcast_in_dim3A_261 = vector.broadcast %broadcast_in_dim3A_260 : i32 to vector<16xi32>
    %swap3A_262 = arith.constant 16 : index
    %swap3A_263 = tpu.vector_load %arg12[%swap3A_262] {strides = array<i32>} : memref<32xi32, #tpu.memory_space<vmem>>, vector<16xi32>,
    tpu.vector_store %arg12[%swap3A_262], %broadcast_in_dim3A_261 {strides = array<i32>} : memref<32xi32, #tpu.memory_space<vmem>>, vector<16xi32>,
    %jit3A = arith.constant 2 : i32
    %eq3A = arith.constant 0 : i32
    %eq3A_264 = arith.cmpi eq, %jit3A, %eq3A : i32
    %jit3A_265 = arith.constant 1 : i32
    %select_n3A = arith.select %eq3A_264, %jit3A_265, %jit3A : i32
    %rem3A = arith.remsi %add3A, %select_n3A : i32
    %ne3A = arith.constant 0 : i32
    %ne3A_266 = arith.cmpi ne, %rem3A, %ne3A : i32
    %lt3A = arith.constant 0 : i32
    %lt3A_267 = arith.cmpi slt, %rem3A, %lt3A : i32
    %lt3A_268 = arith.constant 0 : i32
    %lt3A_269 = arith.cmpi slt, %select_n3A, %lt3A_268 : i32
    %ne3A_270 = arith.xori %lt3A_267, %lt3A_269 : i1
    %and3A = arith.andi %ne3A_270, %ne3A_266 : i1
    %add3A_271 = arith.addi %rem3A, %select_n3A : i32
    %select_n3A_272 = arith.select %and3A, %add3A_271, %rem3A : i32
    %mul3A_273 = arith.constant 256 : i32
    %mul3A_274 = arith.muli %select_n3A_272, %mul3A_273 : i32
    %mul3A_275 = arith.constant 512 : i32
    %mul3A_276 = arith.muli %mul3A_274, %mul3A_275 : i32
    %broadcast_in_dim3A_277 = arith.constant 1 : i32
    %broadcast_in_dim3A_278 = vector.broadcast %broadcast_in_dim3A_277 : i32 to vector<16xi32>
    %broadcast_in_dim3A_279 = arith.constant 0 : i32
    %broadcast_in_dim3A_280 = vector.broadcast %broadcast_in_dim3A_279 : i32 to vector<16xi32>
    %scan3A = arith.constant 0 : i32
    %scan3A_281 = arith.constant 0 : i32
    %scan3A_282 = arith.constant 8 : i32
    %scan3A_283 = arith.addi %scan3A_281, %scan3A_282 : i32
    %scan3A_284 = arith.constant 1 : i32
    %scan3A_285 = scf.for %scan3A_287 = %scan3A_281 to %scan3A_283 step %scan3A_284 iter_args(%scan3A_288 = %scan3A) -> (i32)  : i32 {
      %mul3A_289 = arith.constant 32 : i32
      %mul3A_290 = arith.muli %scan3A_287, %mul3A_289 : i32
      "tpu.region"() ({
        %run_scoped3A = tpu.sem_alloc : memref<!tpu.dma_semaphore, #tpu.memory_space<semaphore_mem>>
        %dma_start3A = arith.constant 0 : i32
        %dma_start3A_298 = tpu.memref_slice %arg2[%add3A, %mul3A_290, %dma_start3A] : memref<32x256x512xi32, #tpu.memory_space<hbm>> -> memref<1x32x512xi32, #tpu.memory_space<hbm>>
        %dma_start3A_299 = tpu.memref_squeeze %dma_start3A_298 : memref<1x32x512xi32, #tpu.memory_space<hbm>> -> memref<32x512xi32, #tpu.memory_space<hbm>>
        %dma_start3A_300 = arith.constant 0 : i32
        %dma_start3A_301 = tpu.memref_slice %arg2[%add3A, %mul3A_290, %dma_start3A_300] : memref<32x256x512xi32, #tpu.memory_space<hbm>> -> memref<1x32x512xi32, #tpu.memory_space<hbm>>
        %dma_start3A_302 = tpu.memref_squeeze %dma_start3A_301 : memref<1x32x512xi32, #tpu.memory_space<hbm>> -> memref<32x512xi32, #tpu.memory_space<hbm>>
        tpu.enqueue_dma source(%dma_start3A_302 : memref<32x512xi32, #tpu.memory_space<hbm>>) target(%arg7 : memref<32x512xi32, #tpu.memory_space<vmem>>) target_semaphore(%run_scoped3A : memref<!tpu.dma_semaphore, #tpu.memory_space<semaphore_mem>>)
        %dma_wait3A = arith.constant 0 : i32
        %dma_wait3A_303 = tpu.memref_slice %arg2[%add3A, %mul3A_290, %dma_wait3A] : memref<32x256x512xi32, #tpu.memory_space<hbm>> -> memref<1x32x512xi32, #tpu.memory_space<hbm>>
        %dma_wait3A_304 = tpu.memref_squeeze %dma_wait3A_303 : memref<1x32x512xi32, #tpu.memory_space<hbm>> -> memref<32x512xi32, #tpu.memory_space<hbm>>
        %dma_wait3A_305 = arith.constant 0 : i32
        %dma_wait3A_306 = tpu.memref_slice %arg2[%add3A, %mul3A_290, %dma_wait3A_305] : memref<32x256x512xi32, #tpu.memory_space<hbm>> -> memref<1x32x512xi32, #tpu.memory_space<hbm>>
        %dma_wait3A_307 = tpu.memref_squeeze %dma_wait3A_306 : memref<1x32x512xi32, #tpu.memory_space<hbm>> -> memref<32x512xi32, #tpu.memory_space<hbm>>
        tpu.wait_dma2 semaphore(%run_scoped3A : memref<!tpu.dma_semaphore, #tpu.memory_space<semaphore_mem>>) src(%dma_wait3A_307 : memref<32x512xi32, #tpu.memory_space<hbm>>) dst(%arg7 : memref<32x512xi32, #tpu.memory_space<vmem>>)
        tpu.yield
      }) : () -> ()
      %scan3A_291 = arith.constant 0 : i32
      %scan3A_292 = arith.constant 0 : i32
      %scan3A_293 = arith.constant 32 : i32
      %scan3A_294 = arith.addi %scan3A_292, %scan3A_293 : i32
      %scan3A_295 = arith.constant 1 : i32
      %scan3A_296 = scf.for %scan3A_298 = %scan3A_292 to %scan3A_294 step %scan3A_295 iter_args(%scan3A_299 = %scan3A_291) -> (i32)  : i32 {
        %mul3A_300 = arith.constant 32 : i32
        %mul3A_301 = arith.muli %scan3A_287, %mul3A_300 : i32
        %add3A_302 = arith.addi %mul3A_301, %scan3A_298 : i32
        %mul3A_303 = arith.constant 512 : i32
        %mul3A_304 = arith.muli %add3A_302, %mul3A_303 : i32
        %add3A_305 = arith.addi %mul3A_276, %mul3A_304 : i32
        %scan3A_306 = arith.constant 0 : i32
        %scan3A_307 = arith.constant 0 : i32
        %scan3A_308 = arith.constant 32 : i32
        %scan3A_309 = arith.addi %scan3A_307, %scan3A_308 : i32
        %scan3A_310 = arith.constant 1 : i32
        %scan3A_311 = scf.for %scan3A_313 = %scan3A_307 to %scan3A_309 step %scan3A_310 iter_args(%scan3A_314 = %scan3A_306) -> (i32)  : i32 {
          %mul3A_315 = arith.constant 16 : i32
          %mul3A_316 = arith.muli %scan3A_313, %mul3A_315 : i32
          %get3A_317 = arith.index_cast %scan3A_298 : i32 to index
          %get3A_318 = arith.index_cast %mul3A_316 : i32 to index
          %get3A_319 = tpu.vector_load %arg7[%get3A_317, %get3A_318] {strides = array<i32>} : memref<32x512xi32, #tpu.memory_space<vmem>>, vector<16xi32>,
          %mul3A_320 = arith.constant 16 : i32
          %mul3A_321 = arith.muli %scan3A_313, %mul3A_320 : i32
          %add3A_322 = arith.addi %add3A_305, %mul3A_321 : i32
          %broadcast_in_dim3A_323 = vector.broadcast %add3A_322 : i32 to vector<16xi32>
          %add3A_324 = arith.addi %broadcast_in_dim3A_323, %iota3A : vector<16xi32>
          %get3A_325 = arith.constant 0 : index
          %get3A_326 = tpu.vector_load %arg12[%get3A_325] {strides = array<i32>} : memref<32xi32, #tpu.memory_space<vmem>>, vector<16xi32>,
          %get3A_327 = arith.constant 16 : index
          %get3A_328 = tpu.vector_load %arg12[%get3A_327] {strides = array<i32>} : memref<32xi32, #tpu.memory_space<vmem>>, vector<16xi32>,
          %gt3A = arith.cmpi sgt, %get3A_319, %get3A_1 : vector<16xi32>
          %select_n3A_329 = arith.select %gt3A, %broadcast_in_dim3A_278, %broadcast_in_dim3A_280 : vector<16xi1>, vector<16xi32>
          %broadcast_in_dim3A_330 = arith.constant true
          %broadcast_in_dim3A_331 = vector.broadcast %broadcast_in_dim3A_330 : i1 to vector<16xi1>
          %masked_cumsum3A = tpu.scan <sum>, %select_n3A_329 masked %broadcast_in_dim3A_331 : vector<16xi32>, vector<16xi1> -> vector<16xi32>
          %all_reduce_population_count3A = tpu.all_reduce %gt3A {dim = 0 : i64, kind = #tpu.reduction_kind<sum>} : vector<16xi1> -> vector<16xi32>
          %add3A_332 = arith.addi %get3A_326, %masked_cumsum3A : vector<16xi32>
          %sub3A = arith.constant 1 : i32
          %sub3A_333 = vector.broadcast %sub3A : i32 to vector<16xi32>
          %sub3A_334 = arith.subi %add3A_332, %sub3A_333 : vector<16xi32>
          tpu.vector_store_idx %arg9[%sub3A_334], %add3A_324 masked %gt3A : memref<256xi32, #tpu.memory_space<vmem>>[vector<16xi32>], vector<16xi32>, vector<16xi1>
          tpu.vector_store_idx %arg10[%sub3A_334], %get3A_319 masked %gt3A : memref<256xi32, #tpu.memory_space<vmem>>[vector<16xi32>], vector<16xi32>, vector<16xi1>
          %eq3A_335 = arith.cmpi eq, %get3A_319, %get3A_1 : vector<16xi32>
          %lt3A_336 = arith.constant 496 : i32
          %lt3A_337 = vector.broadcast %lt3A_336 : i32 to vector<16xi32>
          %lt3A_338 = arith.cmpi slt, %get3A_328, %lt3A_337 : vector<16xi32>
          %and3A_339 = arith.andi %eq3A_335, %lt3A_338 : vector<16xi1>
          %select_n3A_340 = arith.select %and3A_339, %broadcast_in_dim3A_278, %broadcast_in_dim3A_280 : vector<16xi1>, vector<16xi32>
          %broadcast_in_dim3A_341 = arith.constant true
          %broadcast_in_dim3A_342 = vector.broadcast %broadcast_in_dim3A_341 : i1 to vector<16xi1>
          %masked_cumsum3A_343 = tpu.scan <sum>, %select_n3A_340 masked %broadcast_in_dim3A_342 : vector<16xi32>, vector<16xi1> -> vector<16xi32>
          %all_reduce_population_count3A_344 = tpu.all_reduce %and3A_339 {dim = 0 : i64, kind = #tpu.reduction_kind<sum>} : vector<16xi1> -> vector<16xi32>
          %add3A_345 = arith.addi %get3A_328, %masked_cumsum3A_343 : vector<16xi32>
          %sub3A_346 = arith.constant 1 : i32
          %sub3A_347 = vector.broadcast %sub3A_346 : i32 to vector<16xi32>
          %sub3A_348 = arith.subi %add3A_345, %sub3A_347 : vector<16xi32>
          tpu.vector_store_idx %arg11[%sub3A_348], %add3A_324 masked %and3A_339 : memref<512xi32, #tpu.memory_space<vmem>>[vector<16xi32>], vector<16xi32>, vector<16xi1>
          %add3A_349 = arith.addi %get3A_326, %all_reduce_population_count3A : vector<16xi32>
          %swap3A_350 = arith.constant 0 : index
          %swap3A_351 = tpu.vector_load %arg12[%swap3A_350] {strides = array<i32>} : memref<32xi32, #tpu.memory_space<vmem>>, vector<16xi32>,
          tpu.vector_store %arg12[%swap3A_350], %add3A_349 {strides = array<i32>} : memref<32xi32, #tpu.memory_space<vmem>>, vector<16xi32>,
          %add3A_352 = arith.addi %get3A_328, %all_reduce_population_count3A_344 : vector<16xi32>
          %swap3A_353 = arith.constant 16 : index
          %swap3A_354 = tpu.vector_load %arg12[%swap3A_353] {strides = array<i32>} : memref<32xi32, #tpu.memory_space<vmem>>, vector<16xi32>,
          tpu.vector_store %arg12[%swap3A_353], %add3A_352 {strides = array<i32>} : memref<32xi32, #tpu.memory_space<vmem>>, vector<16xi32>,
          %scan3A_355 = arith.constant 0 : i32
          scf.yield %scan3A_355 : i32
        }
        %scan3A_312 = arith.constant 32 : i32
        scf.yield %scan3A_311 : i32
      }
      %scan3A_297 = arith.constant 32 : i32
      scf.yield %scan3A_296 : i32
    }
    %scan3A_286 = arith.constant 8 : i32
    "tpu.region"() ({
      %run_scoped3A = tpu.sem_alloc : memref<!tpu.dma_semaphore, #tpu.memory_space<semaphore_mem>>
      %dma_start3A = arith.constant 0 : i32
      %dma_start3A_287 = tpu.memref_slice %arg4[%add3A, %dma_start3A] : memref<32x256xi32, #tpu.memory_space<hbm>> -> memref<1x256xi32, #tpu.memory_space<hbm>>
      %dma_start3A_288 = tpu.memref_squeeze %dma_start3A_287 : memref<1x256xi32, #tpu.memory_space<hbm>> -> memref<256xi32, #tpu.memory_space<hbm>>
      %dma_start3A_289 = arith.constant 0 : i32
      %dma_start3A_290 = tpu.memref_slice %arg4[%add3A, %dma_start3A_289] : memref<32x256xi32, #tpu.memory_space<hbm>> -> memref<1x256xi32, #tpu.memory_space<hbm>>
      %dma_start3A_291 = tpu.memref_squeeze %dma_start3A_290 : memref<1x256xi32, #tpu.memory_space<hbm>> -> memref<256xi32, #tpu.memory_space<hbm>>
      tpu.enqueue_dma source(%arg9 : memref<256xi32, #tpu.memory_space<vmem>>) target(%dma_start3A_291 : memref<256xi32, #tpu.memory_space<hbm>>) target_semaphore(%run_scoped3A : memref<!tpu.dma_semaphore, #tpu.memory_space<semaphore_mem>>)
      %dma_wait3A = arith.constant 0 : i32
      %dma_wait3A_292 = tpu.memref_slice %arg4[%add3A, %dma_wait3A] : memref<32x256xi32, #tpu.memory_space<hbm>> -> memref<1x256xi32, #tpu.memory_space<hbm>>
      %dma_wait3A_293 = tpu.memref_squeeze %dma_wait3A_292 : memref<1x256xi32, #tpu.memory_space<hbm>> -> memref<256xi32, #tpu.memory_space<hbm>>
      %dma_wait3A_294 = arith.constant 0 : i32
      %dma_wait3A_295 = tpu.memref_slice %arg4[%add3A, %dma_wait3A_294] : memref<32x256xi32, #tpu.memory_space<hbm>> -> memref<1x256xi32, #tpu.memory_space<hbm>>
      %dma_wait3A_296 = tpu.memref_squeeze %dma_wait3A_295 : memref<1x256xi32, #tpu.memory_space<hbm>> -> memref<256xi32, #tpu.memory_space<hbm>>
      tpu.wait_dma2 semaphore(%run_scoped3A : memref<!tpu.dma_semaphore, #tpu.memory_space<semaphore_mem>>) src(%arg9 : memref<256xi32, #tpu.memory_space<vmem>>) dst(%dma_wait3A_296 : memref<256xi32, #tpu.memory_space<hbm>>)
      tpu.yield
    }) : () -> ()
    "tpu.region"() ({
      %run_scoped3A = tpu.sem_alloc : memref<!tpu.dma_semaphore, #tpu.memory_space<semaphore_mem>>
      %dma_start3A = arith.constant 0 : i32
      %dma_start3A_287 = tpu.memref_slice %arg5[%add3A, %dma_start3A] : memref<32x256xi32, #tpu.memory_space<hbm>> -> memref<1x256xi32, #tpu.memory_space<hbm>>
      %dma_start3A_288 = tpu.memref_squeeze %dma_start3A_287 : memref<1x256xi32, #tpu.memory_space<hbm>> -> memref<256xi32, #tpu.memory_space<hbm>>
      %dma_start3A_289 = arith.constant 0 : i32
      %dma_start3A_290 = tpu.memref_slice %arg5[%add3A, %dma_start3A_289] : memref<32x256xi32, #tpu.memory_space<hbm>> -> memref<1x256xi32, #tpu.memory_space<hbm>>
      %dma_start3A_291 = tpu.memref_squeeze %dma_start3A_290 : memref<1x256xi32, #tpu.memory_space<hbm>> -> memref<256xi32, #tpu.memory_space<hbm>>
      tpu.enqueue_dma source(%arg10 : memref<256xi32, #tpu.memory_space<vmem>>) target(%dma_start3A_291 : memref<256xi32, #tpu.memory_space<hbm>>) target_semaphore(%run_scoped3A : memref<!tpu.dma_semaphore, #tpu.memory_space<semaphore_mem>>)
      %dma_wait3A = arith.constant 0 : i32
      %dma_wait3A_292 = tpu.memref_slice %arg5[%add3A, %dma_wait3A] : memref<32x256xi32, #tpu.memory_space<hbm>> -> memref<1x256xi32, #tpu.memory_space<hbm>>
      %dma_wait3A_293 = tpu.memref_squeeze %dma_wait3A_292 : memref<1x256xi32, #tpu.memory_space<hbm>> -> memref<256xi32, #tpu.memory_space<hbm>>
      %dma_wait3A_294 = arith.constant 0 : i32
      %dma_wait3A_295 = tpu.memref_slice %arg5[%add3A, %dma_wait3A_294] : memref<32x256xi32, #tpu.memory_space<hbm>> -> memref<1x256xi32, #tpu.memory_space<hbm>>
      %dma_wait3A_296 = tpu.memref_squeeze %dma_wait3A_295 : memref<1x256xi32, #tpu.memory_space<hbm>> -> memref<256xi32, #tpu.memory_space<hbm>>
      tpu.wait_dma2 semaphore(%run_scoped3A : memref<!tpu.dma_semaphore, #tpu.memory_space<semaphore_mem>>) src(%arg10 : memref<256xi32, #tpu.memory_space<vmem>>) dst(%dma_wait3A_296 : memref<256xi32, #tpu.memory_space<hbm>>)
      tpu.yield
    }) : () -> ()
    "tpu.region"() ({
      %run_scoped3A = tpu.sem_alloc : memref<!tpu.dma_semaphore, #tpu.memory_space<semaphore_mem>>
      %dma_start3A = arith.constant 0 : i32
      %dma_start3A_287 = tpu.memref_slice %arg6[%add3A, %dma_start3A] : memref<32x512xi32, #tpu.memory_space<hbm>> -> memref<1x512xi32, #tpu.memory_space<hbm>>
      %dma_start3A_288 = tpu.memref_squeeze %dma_start3A_287 : memref<1x512xi32, #tpu.memory_space<hbm>> -> memref<512xi32, #tpu.memory_space<hbm>>
      %dma_start3A_289 = arith.constant 0 : i32
      %dma_start3A_290 = tpu.memref_slice %arg6[%add3A, %dma_start3A_289] : memref<32x512xi32, #tpu.memory_space<hbm>> -> memref<1x512xi32, #tpu.memory_space<hbm>>
      %dma_start3A_291 = tpu.memref_squeeze %dma_start3A_290 : memref<1x512xi32, #tpu.memory_space<hbm>> -> memref<512xi32, #tpu.memory_space<hbm>>
      tpu.enqueue_dma source(%arg11 : memref<512xi32, #tpu.memory_space<vmem>>) target(%dma_start3A_291 : memref<512xi32, #tpu.memory_space<hbm>>) target_semaphore(%run_scoped3A : memref<!tpu.dma_semaphore, #tpu.memory_space<semaphore_mem>>)
      %dma_wait3A = arith.constant 0 : i32
      %dma_wait3A_292 = tpu.memref_slice %arg6[%add3A, %dma_wait3A] : memref<32x512xi32, #tpu.memory_space<hbm>> -> memref<1x512xi32, #tpu.memory_space<hbm>>
      %dma_wait3A_293 = tpu.memref_squeeze %dma_wait3A_292 : memref<1x512xi32, #tpu.memory_space<hbm>> -> memref<512xi32, #tpu.memory_space<hbm>>
      %dma_wait3A_294 = arith.constant 0 : i32
      %dma_wait3A_295 = tpu.memref_slice %arg6[%add3A, %dma_wait3A_294] : memref<32x512xi32, #tpu.memory_space<hbm>> -> memref<1x512xi32, #tpu.memory_space<hbm>>
      %dma_wait3A_296 = tpu.memref_squeeze %dma_wait3A_295 : memref<1x512xi32, #tpu.memory_space<hbm>> -> memref<512xi32, #tpu.memory_space<hbm>>
      tpu.wait_dma2 semaphore(%run_scoped3A : memref<!tpu.dma_semaphore, #tpu.memory_space<semaphore_mem>>) src(%arg11 : memref<512xi32, #tpu.memory_space<vmem>>) dst(%dma_wait3A_296 : memref<512xi32, #tpu.memory_space<hbm>>)
      tpu.yield
    }) : () -> ()
    return
  }
}

module attributes {stable_mosaic.version = 14 : i64} {
  func.func @_mlp_body(%arg0: i32, %arg1: memref<1x512x256xf32, #tpu.memory_space<vmem>>, %arg2: memref<1x512x256xf32, #tpu.memory_space<vmem>>, %arg3: memref<256x256xf32, #tpu.memory_space<vmem>>, %arg4: memref<1x256xf32, #tpu.memory_space<vmem>>, %arg5: memref<256x256xf32, #tpu.memory_space<vmem>>, %arg6: memref<1x256xf32, #tpu.memory_space<vmem>>, %arg7: memref<256x256xf32, #tpu.memory_space<vmem>>, %arg8: memref<1x256xf32, #tpu.memory_space<vmem>>, %arg9: memref<256x256xf32, #tpu.memory_space<vmem>>, %arg10: memref<1x256xf32, #tpu.memory_space<vmem>>, %arg11: memref<1x512x512xf32, #tpu.memory_space<vmem>>) attributes {dimension_semantics = [#tpu.dimension_semantics<arbitrary>], iteration_bounds = array<i64: 16>, scalar_prefetch = 0 : i64, scratch_operands = 0 : i64, tpu.core_type = #tpu.core_type<tc>, window_params = [{transform_indices = @transform_0, window_bounds = array<i64: 1, 512, 256>}, {transform_indices = @transform_1, window_bounds = array<i64: 1, 512, 256>}, {pipeline_mode = #tpu.pipeline_mode<synchronous>, transform_indices = @transform_2, window_bounds = array<i64: 256, 256>}, {pipeline_mode = #tpu.pipeline_mode<synchronous>, transform_indices = @transform_3, window_bounds = array<i64: 1, 256>}, {pipeline_mode = #tpu.pipeline_mode<synchronous>, transform_indices = @transform_4, window_bounds = array<i64: 256, 256>}, {pipeline_mode = #tpu.pipeline_mode<synchronous>, transform_indices = @transform_5, window_bounds = array<i64: 1, 256>}, {pipeline_mode = #tpu.pipeline_mode<synchronous>, transform_indices = @transform_6, window_bounds = array<i64: 256, 256>}, {pipeline_mode = #tpu.pipeline_mode<synchronous>, transform_indices = @transform_7, window_bounds = array<i64: 1, 256>}, {pipeline_mode = #tpu.pipeline_mode<synchronous>, transform_indices = @transform_8, window_bounds = array<i64: 256, 256>}, {pipeline_mode = #tpu.pipeline_mode<synchronous>, transform_indices = @transform_9, window_bounds = array<i64: 1, 256>}, {transform_indices = @transform_10, window_bounds = array<i64: 1, 512, 512>}]} {
    %get3A = arith.constant 0 : index
    %get3A_0 = arith.constant 0 : index
    %get3A_1 = arith.constant 0 : index
    %get3A_2 = vector.load %arg1[%get3A, %get3A_0, %get3A_1] : memref<1x512x256xf32, #tpu.memory_space<vmem>>, vector<1x512x256xf32>
    %get3A_3 = vector.shape_cast %get3A_2 : vector<1x512x256xf32> to vector<512x256xf32>
    %get3A_4 = arith.constant 0 : index
    %get3A_5 = arith.constant 0 : index
    %get3A_6 = arith.constant 0 : index
    %get3A_7 = vector.load %arg2[%get3A_4, %get3A_5, %get3A_6] : memref<1x512x256xf32, #tpu.memory_space<vmem>>, vector<1x512x256xf32>
    %get3A_8 = vector.shape_cast %get3A_7 : vector<1x512x256xf32> to vector<512x256xf32>
    %get3A_9 = arith.constant 0 : index
    %get3A_10 = arith.constant 0 : index
    %get3A_11 = vector.load %arg3[%get3A_9, %get3A_10] : memref<256x256xf32, #tpu.memory_space<vmem>>, vector<256x256xf32>
    %dot_general3A = arith.constant dense<0.000000e+00> : vector<512x256xf32>
    %dot_general3A_12 = tpu.matmul %get3A_3, %get3A_11, %dot_general3A {dimension_numbers = #tpu.dot_dimension_numbers<[1], [1], [0], [0], [0, 0, 1, 0], [], []>, transpose_lhs_hint = false} : vector<512x256xf32>, vector<256x256xf32>, vector<512x256xf32> -> vector<512x256xf32>
    %get3A_13 = arith.constant 0 : index
    %get3A_14 = arith.constant 0 : index
    %get3A_15 = vector.load %arg4[%get3A_13, %get3A_14] : memref<1x256xf32, #tpu.memory_space<vmem>>, vector<1x256xf32>
    %add3A = vector.broadcast %get3A_15 : vector<1x256xf32> to vector<512x256xf32>
    %add3A_16 = arith.addf %dot_general3A_12, %add3A : vector<512x256xf32>
    %max3A = arith.constant 0.000000e+00 : f32
    %max3A_17 = vector.broadcast %max3A : f32 to vector<512x256xf32>
    %max3A_18 = arith.maximumf %add3A_16, %max3A_17 : vector<512x256xf32>
    %get3A_19 = arith.constant 0 : index
    %get3A_20 = arith.constant 0 : index
    %get3A_21 = vector.load %arg5[%get3A_19, %get3A_20] : memref<256x256xf32, #tpu.memory_space<vmem>>, vector<256x256xf32>
    %dot_general3A_22 = arith.constant dense<0.000000e+00> : vector<512x256xf32>
    %dot_general3A_23 = tpu.matmul %max3A_18, %get3A_21, %dot_general3A_22 {dimension_numbers = #tpu.dot_dimension_numbers<[1], [1], [0], [0], [0, 0, 1, 0], [], []>, transpose_lhs_hint = false} : vector<512x256xf32>, vector<256x256xf32>, vector<512x256xf32> -> vector<512x256xf32>
    %get3A_24 = arith.constant 0 : index
    %get3A_25 = arith.constant 0 : index
    %get3A_26 = vector.load %arg6[%get3A_24, %get3A_25] : memref<1x256xf32, #tpu.memory_space<vmem>>, vector<1x256xf32>
    %add3A_27 = vector.broadcast %get3A_26 : vector<1x256xf32> to vector<512x256xf32>
    %add3A_28 = arith.addf %dot_general3A_23, %add3A_27 : vector<512x256xf32>
    %get3A_29 = arith.constant 0 : index
    %get3A_30 = arith.constant 0 : index
    %get3A_31 = vector.load %arg7[%get3A_29, %get3A_30] : memref<256x256xf32, #tpu.memory_space<vmem>>, vector<256x256xf32>
    %dot_general3A_32 = arith.constant dense<0.000000e+00> : vector<512x256xf32>
    %dot_general3A_33 = tpu.matmul %get3A_8, %get3A_31, %dot_general3A_32 {dimension_numbers = #tpu.dot_dimension_numbers<[1], [1], [0], [0], [0, 0, 1, 0], [], []>, transpose_lhs_hint = false} : vector<512x256xf32>, vector<256x256xf32>, vector<512x256xf32> -> vector<512x256xf32>
    %get3A_34 = arith.constant 0 : index
    %get3A_35 = arith.constant 0 : index
    %get3A_36 = vector.load %arg8[%get3A_34, %get3A_35] : memref<1x256xf32, #tpu.memory_space<vmem>>, vector<1x256xf32>
    %add3A_37 = vector.broadcast %get3A_36 : vector<1x256xf32> to vector<512x256xf32>
    %add3A_38 = arith.addf %dot_general3A_33, %add3A_37 : vector<512x256xf32>
    %max3A_39 = arith.constant 0.000000e+00 : f32
    %max3A_40 = vector.broadcast %max3A_39 : f32 to vector<512x256xf32>
    %max3A_41 = arith.maximumf %add3A_38, %max3A_40 : vector<512x256xf32>
    %get3A_42 = arith.constant 0 : index
    %get3A_43 = arith.constant 0 : index
    %get3A_44 = vector.load %arg9[%get3A_42, %get3A_43] : memref<256x256xf32, #tpu.memory_space<vmem>>, vector<256x256xf32>
    %dot_general3A_45 = arith.constant dense<0.000000e+00> : vector<512x256xf32>
    %dot_general3A_46 = tpu.matmul %max3A_41, %get3A_44, %dot_general3A_45 {dimension_numbers = #tpu.dot_dimension_numbers<[1], [1], [0], [0], [0, 0, 1, 0], [], []>, transpose_lhs_hint = false} : vector<512x256xf32>, vector<256x256xf32>, vector<512x256xf32> -> vector<512x256xf32>
    %get3A_47 = arith.constant 0 : index
    %get3A_48 = arith.constant 0 : index
    %get3A_49 = vector.load %arg10[%get3A_47, %get3A_48] : memref<1x256xf32, #tpu.memory_space<vmem>>, vector<1x256xf32>
    %add3A_50 = vector.broadcast %get3A_49 : vector<1x256xf32> to vector<512x256xf32>
    %add3A_51 = arith.addf %dot_general3A_46, %add3A_50 : vector<512x256xf32>
    %mul3A = arith.mulf %add3A_28, %add3A_28 : vector<512x256xf32>
    %reduce_sum3A = arith.constant dense<0.000000e+00> : vector<512xf32>
    %reduce_sum3A_52 = vector.multi_reduction <add>, %mul3A, %reduce_sum3A [1] : vector<512x256xf32> to vector<512xf32>
    %broadcast_in_dim3A = vector.shape_cast %reduce_sum3A_52 : vector<512xf32> to vector<512x1xf32>
    %sqrt3A = math.sqrt %broadcast_in_dim3A : vector<512x1xf32>
    %add3A_53 = arith.constant 9.99999997E-7 : f32
    %add3A_54 = vector.broadcast %add3A_53 : f32 to vector<512x1xf32>
    %add3A_55 = arith.addf %sqrt3A, %add3A_54 : vector<512x1xf32>
    %div3A = vector.broadcast %add3A_55 : vector<512x1xf32> to vector<512x256xf32>
    %div3A_56 = arith.divf %add3A_28, %div3A : vector<512x256xf32>
    %mul3A_57 = arith.mulf %add3A_51, %add3A_51 : vector<512x256xf32>
    %reduce_sum3A_58 = arith.constant dense<0.000000e+00> : vector<512xf32>
    %reduce_sum3A_59 = vector.multi_reduction <add>, %mul3A_57, %reduce_sum3A_58 [1] : vector<512x256xf32> to vector<512xf32>
    %broadcast_in_dim3A_60 = vector.shape_cast %reduce_sum3A_59 : vector<512xf32> to vector<512x1xf32>
    %sqrt3A_61 = math.sqrt %broadcast_in_dim3A_60 : vector<512x1xf32>
    %add3A_62 = arith.constant 9.99999997E-7 : f32
    %add3A_63 = vector.broadcast %add3A_62 : f32 to vector<512x1xf32>
    %add3A_64 = arith.addf %sqrt3A_61, %add3A_63 : vector<512x1xf32>
    %div3A_65 = vector.broadcast %add3A_64 : vector<512x1xf32> to vector<512x256xf32>
    %div3A_66 = arith.divf %add3A_51, %div3A_65 : vector<512x256xf32>
    %dot_general3A_67 = arith.constant dense<0.000000e+00> : vector<512x512xf32>
    %dot_general3A_68 = tpu.matmul %div3A_56, %div3A_66, %dot_general3A_67 {dimension_numbers = #tpu.dot_dimension_numbers<[1], [1], [0], [0], [0, 0, 1, 0], [], []>, transpose_lhs_hint = false} : vector<512x256xf32>, vector<512x256xf32>, vector<512x512xf32> -> vector<512x512xf32>
    %swap3A = arith.constant 0 : index
    %swap3A_69 = arith.constant 0 : index
    %swap3A_70 = arith.constant 0 : index
    %swap3A_71 = vector.load %arg11[%swap3A, %swap3A_69, %swap3A_70] : memref<1x512x512xf32, #tpu.memory_space<vmem>>, vector<1x512x512xf32>
    %swap3A_72 = vector.shape_cast %swap3A_71 : vector<1x512x512xf32> to vector<512x512xf32>
    %swap3A_73 = vector.shape_cast %dot_general3A_68 : vector<512x512xf32> to vector<1x512x512xf32>
    tpu.vector_store %arg11[%swap3A, %swap3A_69, %swap3A_70], %swap3A_73 {strides = array<i32>} : memref<1x512x512xf32, #tpu.memory_space<vmem>>, vector<1x512x512xf32>,
    return
  }
  func.func @transform_0(%arg0: i32) -> (i32, i32, i32) {
    %c0_i32 = arith.constant 0 : i32
    %c0_i32_0 = arith.constant 0 : i32
    %c0_i32_1 = arith.constant 0 : i32
    return %arg0, %c0_i32, %c0_i32_0 : i32, i32, i32
  }
  func.func @transform_1(%arg0: i32) -> (i32, i32, i32) {
    %c0_i32 = arith.constant 0 : i32
    %c0_i32_0 = arith.constant 0 : i32
    %c0_i32_1 = arith.constant 0 : i32
    return %arg0, %c0_i32, %c0_i32_0 : i32, i32, i32
  }
  func.func @transform_2(%arg0: i32) -> (i32, i32) {
    %c0_i32 = arith.constant 0 : i32
    %c0_i32_0 = arith.constant 0 : i32
    %c0_i32_1 = arith.constant 0 : i32
    return %c0_i32, %c0_i32_0 : i32, i32
  }
  func.func @transform_3(%arg0: i32) -> (i32, i32) {
    %c0_i32 = arith.constant 0 : i32
    %c0_i32_0 = arith.constant 0 : i32
    %c0_i32_1 = arith.constant 0 : i32
    return %c0_i32, %c0_i32_0 : i32, i32
  }
  func.func @transform_4(%arg0: i32) -> (i32, i32) {
    %c0_i32 = arith.constant 0 : i32
    %c0_i32_0 = arith.constant 0 : i32
    %c0_i32_1 = arith.constant 0 : i32
    return %c0_i32, %c0_i32_0 : i32, i32
  }
  func.func @transform_5(%arg0: i32) -> (i32, i32) {
    %c0_i32 = arith.constant 0 : i32
    %c0_i32_0 = arith.constant 0 : i32
    %c0_i32_1 = arith.constant 0 : i32
    return %c0_i32, %c0_i32_0 : i32, i32
  }
  func.func @transform_6(%arg0: i32) -> (i32, i32) {
    %c0_i32 = arith.constant 0 : i32
    %c0_i32_0 = arith.constant 0 : i32
    %c0_i32_1 = arith.constant 0 : i32
    return %c0_i32, %c0_i32_0 : i32, i32
  }
  func.func @transform_7(%arg0: i32) -> (i32, i32) {
    %c0_i32 = arith.constant 0 : i32
    %c0_i32_0 = arith.constant 0 : i32
    %c0_i32_1 = arith.constant 0 : i32
    return %c0_i32, %c0_i32_0 : i32, i32
  }
  func.func @transform_8(%arg0: i32) -> (i32, i32) {
    %c0_i32 = arith.constant 0 : i32
    %c0_i32_0 = arith.constant 0 : i32
    %c0_i32_1 = arith.constant 0 : i32
    return %c0_i32, %c0_i32_0 : i32, i32
  }
  func.func @transform_9(%arg0: i32) -> (i32, i32) {
    %c0_i32 = arith.constant 0 : i32
    %c0_i32_0 = arith.constant 0 : i32
    %c0_i32_1 = arith.constant 0 : i32
    return %c0_i32, %c0_i32_0 : i32, i32
  }
  func.func @transform_10(%arg0: i32) -> (i32, i32, i32) {
    %c0_i32 = arith.constant 0 : i32
    %c0_i32_0 = arith.constant 0 : i32
    %c0_i32_1 = arith.constant 0 : i32
    return %arg0, %c0_i32, %c0_i32_0 : i32, i32, i32
  }
}

module attributes {stable_mosaic.version = 14 : i64} {
  func.func @_conv_body(%arg0: i32, %arg1: memref<1x512x512xf32, #tpu.memory_space<vmem>>, %arg2: memref<16x9xf32, #tpu.memory_space<smem>>, %arg3: memref<16xf32, #tpu.memory_space<smem>>, %arg4: memref<16xf32, #tpu.memory_space<smem>>, %arg5: memref<1xf32, #tpu.memory_space<smem>>, %arg6: memref<1x512x512xi32, #tpu.memory_space<vmem>>, %arg7: memref<514x514xf32, #tpu.memory_space<vmem>>, %arg8: memref<512x512xf32, #tpu.memory_space<vmem>>) attributes {dimension_semantics = [#tpu.dimension_semantics<arbitrary>], iteration_bounds = array<i64: 16>, scalar_prefetch = 0 : i64, scratch_operands = 2 : i64, tpu.core_type = #tpu.core_type<tc>, window_params = [{transform_indices = @transform_0, window_bounds = array<i64: 1, 512, 512>}, {transform_indices = @transform_1, window_bounds = array<i64: 16, 9>}, {transform_indices = @transform_2, window_bounds = array<i64: 16>}, {transform_indices = @transform_3, window_bounds = array<i64: 16>}, {transform_indices = @transform_4, window_bounds = array<i64: 1>}, {transform_indices = @transform_5, window_bounds = array<i64: 1, 512, 512>}]} {
    %get3A = arith.constant 0 : index
    %get3A_0 = arith.constant 0 : index
    %get3A_1 = arith.constant 0 : index
    %get3A_2 = vector.load %arg1[%get3A, %get3A_0, %get3A_1] : memref<1x512x512xf32, #tpu.memory_space<vmem>>, vector<1x512x512xf32>
    %get3A_3 = vector.shape_cast %get3A_2 : vector<1x512x512xf32> to vector<512x512xf32>
    %convert_element_type3A = arith.truncf %get3A_3 : vector<512x512xf32> to vector<512x512xbf16>
    %convert_element_type3A_4 = arith.extf %convert_element_type3A : vector<512x512xbf16> to vector<512x512xf32>
    %broadcast_in_dim3A = arith.constant 0.000000e+00 : f32
    %broadcast_in_dim3A_5 = vector.broadcast %broadcast_in_dim3A : f32 to vector<1x512xf32>
    %concatenate3A = tpu.concatenate %broadcast_in_dim3A_5, %convert_element_type3A_4, %broadcast_in_dim3A_5 in 0 : vector<1x512xf32>, vector<512x512xf32>, vector<1x512xf32> -> vector<514x512xf32>
    %broadcast_in_dim3A_6 = arith.constant 0.000000e+00 : f32
    %broadcast_in_dim3A_7 = vector.broadcast %broadcast_in_dim3A_6 : f32 to vector<514x1xf32>
    %concatenate3A_8 = tpu.concatenate %broadcast_in_dim3A_7, %concatenate3A, %broadcast_in_dim3A_7 in 1 : vector<514x1xf32>, vector<514x512xf32>, vector<514x1xf32> -> vector<514x514xf32>
    %swap3A = arith.constant 0 : index
    %swap3A_9 = arith.constant 0 : index
    %swap3A_10 = vector.load %arg7[%swap3A, %swap3A_9] : memref<514x514xf32, #tpu.memory_space<vmem>>, vector<514x514xf32>
    tpu.vector_store %arg7[%swap3A, %swap3A_9], %concatenate3A_8 {strides = array<i32>} : memref<514x514xf32, #tpu.memory_space<vmem>>, vector<514x514xf32>,
    %broadcast_in_dim3A_11 = arith.constant 0.000000e+00 : f32
    %broadcast_in_dim3A_12 = vector.broadcast %broadcast_in_dim3A_11 : f32 to vector<512x512xf32>
    %swap3A_13 = arith.constant 0 : index
    %swap3A_14 = arith.constant 0 : index
    %swap3A_15 = vector.load %arg8[%swap3A_13, %swap3A_14] : memref<512x512xf32, #tpu.memory_space<vmem>>, vector<512x512xf32>
    tpu.vector_store %arg8[%swap3A_13, %swap3A_14], %broadcast_in_dim3A_12 {strides = array<i32>} : memref<512x512xf32, #tpu.memory_space<vmem>>, vector<512x512xf32>,
    %scan3A = arith.constant 0 : i32
    %scan3A_16 = arith.constant 16 : i32
    %scan3A_17 = arith.addi %scan3A, %scan3A_16 : i32
    %scan3A_18 = arith.constant 1 : i32
    scf.for %scan3A_36 = %scan3A to %scan3A_17 step %scan3A_18  : i32 {
      %broadcast_in_dim3A_37 = arith.constant 0.000000e+00 : f32
      %broadcast_in_dim3A_38 = vector.broadcast %broadcast_in_dim3A_37 : f32 to vector<512x512xf32>
      %get3A_39 = arith.index_cast %scan3A_36 : i32 to index
      %get3A_40 = arith.constant 0 : index
      %get3A_41 = memref.load %arg2[%get3A_39, %get3A_40] : memref<16x9xf32, #tpu.memory_space<smem>>
      %convert_element_type3A_42 = arith.truncf %get3A_41 : f32 to bf16
      %convert_element_type3A_43 = arith.extf %convert_element_type3A_42 : bf16 to f32
      %get3A_44 = arith.constant 0 : index
      %get3A_45 = arith.constant 0 : index
      %get3A_46 = vector.load %arg7[%get3A_44, %get3A_45] : memref<514x514xf32, #tpu.memory_space<vmem>>, vector<512x512xf32>
      %mul3A = vector.broadcast %convert_element_type3A_43 : f32 to vector<512x512xf32>
      %mul3A_47 = arith.mulf %mul3A, %get3A_46 : vector<512x512xf32>
      %add3A_48 = arith.addf %broadcast_in_dim3A_38, %mul3A_47 : vector<512x512xf32>
      %get3A_49 = arith.index_cast %scan3A_36 : i32 to index
      %get3A_50 = arith.constant 1 : index
      %get3A_51 = memref.load %arg2[%get3A_49, %get3A_50] : memref<16x9xf32, #tpu.memory_space<smem>>
      %convert_element_type3A_52 = arith.truncf %get3A_51 : f32 to bf16
      %convert_element_type3A_53 = arith.extf %convert_element_type3A_52 : bf16 to f32
      %get3A_54 = arith.constant 0 : index
      %get3A_55 = arith.constant 1 : index
      %get3A_56 = vector.load %arg7[%get3A_54, %get3A_55] : memref<514x514xf32, #tpu.memory_space<vmem>>, vector<512x512xf32>
      %mul3A_57 = vector.broadcast %convert_element_type3A_53 : f32 to vector<512x512xf32>
      %mul3A_58 = arith.mulf %mul3A_57, %get3A_56 : vector<512x512xf32>
      %add3A_59 = arith.addf %add3A_48, %mul3A_58 : vector<512x512xf32>
      %get3A_60 = arith.index_cast %scan3A_36 : i32 to index
      %get3A_61 = arith.constant 2 : index
      %get3A_62 = memref.load %arg2[%get3A_60, %get3A_61] : memref<16x9xf32, #tpu.memory_space<smem>>
      %convert_element_type3A_63 = arith.truncf %get3A_62 : f32 to bf16
      %convert_element_type3A_64 = arith.extf %convert_element_type3A_63 : bf16 to f32
      %get3A_65 = arith.constant 0 : index
      %get3A_66 = arith.constant 2 : index
      %get3A_67 = vector.load %arg7[%get3A_65, %get3A_66] : memref<514x514xf32, #tpu.memory_space<vmem>>, vector<512x512xf32>
      %mul3A_68 = vector.broadcast %convert_element_type3A_64 : f32 to vector<512x512xf32>
      %mul3A_69 = arith.mulf %mul3A_68, %get3A_67 : vector<512x512xf32>
      %add3A_70 = arith.addf %add3A_59, %mul3A_69 : vector<512x512xf32>
      %get3A_71 = arith.index_cast %scan3A_36 : i32 to index
      %get3A_72 = arith.constant 3 : index
      %get3A_73 = memref.load %arg2[%get3A_71, %get3A_72] : memref<16x9xf32, #tpu.memory_space<smem>>
      %convert_element_type3A_74 = arith.truncf %get3A_73 : f32 to bf16
      %convert_element_type3A_75 = arith.extf %convert_element_type3A_74 : bf16 to f32
      %get3A_76 = arith.constant 1 : index
      %get3A_77 = arith.constant 0 : index
      %get3A_78 = vector.load %arg7[%get3A_76, %get3A_77] : memref<514x514xf32, #tpu.memory_space<vmem>>, vector<512x512xf32>
      %mul3A_79 = vector.broadcast %convert_element_type3A_75 : f32 to vector<512x512xf32>
      %mul3A_80 = arith.mulf %mul3A_79, %get3A_78 : vector<512x512xf32>
      %add3A_81 = arith.addf %add3A_70, %mul3A_80 : vector<512x512xf32>
      %get3A_82 = arith.index_cast %scan3A_36 : i32 to index
      %get3A_83 = arith.constant 4 : index
      %get3A_84 = memref.load %arg2[%get3A_82, %get3A_83] : memref<16x9xf32, #tpu.memory_space<smem>>
      %convert_element_type3A_85 = arith.truncf %get3A_84 : f32 to bf16
      %convert_element_type3A_86 = arith.extf %convert_element_type3A_85 : bf16 to f32
      %get3A_87 = arith.constant 1 : index
      %get3A_88 = arith.constant 1 : index
      %get3A_89 = vector.load %arg7[%get3A_87, %get3A_88] : memref<514x514xf32, #tpu.memory_space<vmem>>, vector<512x512xf32>
      %mul3A_90 = vector.broadcast %convert_element_type3A_86 : f32 to vector<512x512xf32>
      %mul3A_91 = arith.mulf %mul3A_90, %get3A_89 : vector<512x512xf32>
      %add3A_92 = arith.addf %add3A_81, %mul3A_91 : vector<512x512xf32>
      %get3A_93 = arith.index_cast %scan3A_36 : i32 to index
      %get3A_94 = arith.constant 5 : index
      %get3A_95 = memref.load %arg2[%get3A_93, %get3A_94] : memref<16x9xf32, #tpu.memory_space<smem>>
      %convert_element_type3A_96 = arith.truncf %get3A_95 : f32 to bf16
      %convert_element_type3A_97 = arith.extf %convert_element_type3A_96 : bf16 to f32
      %get3A_98 = arith.constant 1 : index
      %get3A_99 = arith.constant 2 : index
      %get3A_100 = vector.load %arg7[%get3A_98, %get3A_99] : memref<514x514xf32, #tpu.memory_space<vmem>>, vector<512x512xf32>
      %mul3A_101 = vector.broadcast %convert_element_type3A_97 : f32 to vector<512x512xf32>
      %mul3A_102 = arith.mulf %mul3A_101, %get3A_100 : vector<512x512xf32>
      %add3A_103 = arith.addf %add3A_92, %mul3A_102 : vector<512x512xf32>
      %get3A_104 = arith.index_cast %scan3A_36 : i32 to index
      %get3A_105 = arith.constant 6 : index
      %get3A_106 = memref.load %arg2[%get3A_104, %get3A_105] : memref<16x9xf32, #tpu.memory_space<smem>>
      %convert_element_type3A_107 = arith.truncf %get3A_106 : f32 to bf16
      %convert_element_type3A_108 = arith.extf %convert_element_type3A_107 : bf16 to f32
      %get3A_109 = arith.constant 2 : index
      %get3A_110 = arith.constant 0 : index
      %get3A_111 = vector.load %arg7[%get3A_109, %get3A_110] : memref<514x514xf32, #tpu.memory_space<vmem>>, vector<512x512xf32>
      %mul3A_112 = vector.broadcast %convert_element_type3A_108 : f32 to vector<512x512xf32>
      %mul3A_113 = arith.mulf %mul3A_112, %get3A_111 : vector<512x512xf32>
      %add3A_114 = arith.addf %add3A_103, %mul3A_113 : vector<512x512xf32>
      %get3A_115 = arith.index_cast %scan3A_36 : i32 to index
      %get3A_116 = arith.constant 7 : index
      %get3A_117 = memref.load %arg2[%get3A_115, %get3A_116] : memref<16x9xf32, #tpu.memory_space<smem>>
      %convert_element_type3A_118 = arith.truncf %get3A_117 : f32 to bf16
      %convert_element_type3A_119 = arith.extf %convert_element_type3A_118 : bf16 to f32
      %get3A_120 = arith.constant 2 : index
      %get3A_121 = arith.constant 1 : index
      %get3A_122 = vector.load %arg7[%get3A_120, %get3A_121] : memref<514x514xf32, #tpu.memory_space<vmem>>, vector<512x512xf32>
      %mul3A_123 = vector.broadcast %convert_element_type3A_119 : f32 to vector<512x512xf32>
      %mul3A_124 = arith.mulf %mul3A_123, %get3A_122 : vector<512x512xf32>
      %add3A_125 = arith.addf %add3A_114, %mul3A_124 : vector<512x512xf32>
      %get3A_126 = arith.index_cast %scan3A_36 : i32 to index
      %get3A_127 = arith.constant 8 : index
      %get3A_128 = memref.load %arg2[%get3A_126, %get3A_127] : memref<16x9xf32, #tpu.memory_space<smem>>
      %convert_element_type3A_129 = arith.truncf %get3A_128 : f32 to bf16
      %convert_element_type3A_130 = arith.extf %convert_element_type3A_129 : bf16 to f32
      %get3A_131 = arith.constant 2 : index
      %get3A_132 = arith.constant 2 : index
      %get3A_133 = vector.load %arg7[%get3A_131, %get3A_132] : memref<514x514xf32, #tpu.memory_space<vmem>>, vector<512x512xf32>
      %mul3A_134 = vector.broadcast %convert_element_type3A_130 : f32 to vector<512x512xf32>
      %mul3A_135 = arith.mulf %mul3A_134, %get3A_133 : vector<512x512xf32>
      %add3A_136 = arith.addf %add3A_125, %mul3A_135 : vector<512x512xf32>
      %get3A_137 = arith.index_cast %scan3A_36 : i32 to index
      %get3A_138 = memref.load %arg3[%get3A_137] : memref<16xf32, #tpu.memory_space<smem>>
      %add3A_139 = vector.broadcast %get3A_138 : f32 to vector<512x512xf32>
      %add3A_140 = arith.addf %add3A_136, %add3A_139 : vector<512x512xf32>
      %max3A = arith.constant 0.000000e+00 : f32
      %max3A_141 = vector.broadcast %max3A : f32 to vector<512x512xf32>
      %max3A_142 = arith.maximumf %add3A_140, %max3A_141 : vector<512x512xf32>
      %convert_element_type3A_143 = arith.truncf %max3A_142 : vector<512x512xf32> to vector<512x512xbf16>
      %convert_element_type3A_144 = arith.extf %convert_element_type3A_143 : vector<512x512xbf16> to vector<512x512xf32>
      %get3A_145 = arith.index_cast %scan3A_36 : i32 to index
      %get3A_146 = memref.load %arg4[%get3A_145] : memref<16xf32, #tpu.memory_space<smem>>
      %convert_element_type3A_147 = arith.truncf %get3A_146 : f32 to bf16
      %convert_element_type3A_148 = arith.extf %convert_element_type3A_147 : bf16 to f32
      %get3A_149 = arith.constant 0 : index
      %get3A_150 = arith.constant 0 : index
      %get3A_151 = vector.load %arg8[%get3A_149, %get3A_150] : memref<512x512xf32, #tpu.memory_space<vmem>>, vector<512x512xf32>
      %mul3A_152 = vector.broadcast %convert_element_type3A_148 : f32 to vector<512x512xf32>
      %mul3A_153 = arith.mulf %mul3A_152, %convert_element_type3A_144 : vector<512x512xf32>
      %add3A_154 = arith.addf %get3A_151, %mul3A_153 : vector<512x512xf32>
      %swap3A_155 = arith.constant 0 : index
      %swap3A_156 = arith.constant 0 : index
      %swap3A_157 = vector.load %arg8[%swap3A_155, %swap3A_156] : memref<512x512xf32, #tpu.memory_space<vmem>>, vector<512x512xf32>
      tpu.vector_store %arg8[%swap3A_155, %swap3A_156], %add3A_154 {strides = array<i32>} : memref<512x512xf32, #tpu.memory_space<vmem>>, vector<512x512xf32>,
    }
    %scan3A_19 = arith.constant 16 : i32
    %get3A_20 = arith.constant 0 : index
    %get3A_21 = arith.constant 0 : index
    %get3A_22 = vector.load %arg8[%get3A_20, %get3A_21] : memref<512x512xf32, #tpu.memory_space<vmem>>, vector<512x512xf32>
    %get3A_23 = arith.constant 0 : index
    %get3A_24 = memref.load %arg5[%get3A_23] : memref<1xf32, #tpu.memory_space<smem>>
    %add3A = vector.broadcast %get3A_24 : f32 to vector<512x512xf32>
    %add3A_25 = arith.addf %get3A_22, %add3A : vector<512x512xf32>
    %bitcast_convert_type3A = tpu.bitcast %add3A_25 : vector<512x512xf32> -> vector<512x512xi32>
    %ge3A = arith.constant 0 : i32
    %ge3A_26 = vector.broadcast %ge3A : i32 to vector<512x512xi32>
    %ge3A_27 = arith.cmpi sge, %bitcast_convert_type3A, %ge3A_26 : vector<512x512xi32>
    %xor3A = arith.constant 2147483647 : i32
    %xor3A_28 = vector.broadcast %xor3A : i32 to vector<512x512xi32>
    %xor3A_29 = arith.xori %bitcast_convert_type3A, %xor3A_28 : vector<512x512xi32>
    %select_n3A = arith.select %ge3A_27, %bitcast_convert_type3A, %xor3A_29 : vector<512x512xi1>, vector<512x512xi32>
    %swap3A_30 = arith.constant 0 : index
    %swap3A_31 = arith.constant 0 : index
    %swap3A_32 = arith.constant 0 : index
    %swap3A_33 = vector.load %arg6[%swap3A_30, %swap3A_31, %swap3A_32] : memref<1x512x512xi32, #tpu.memory_space<vmem>>, vector<1x512x512xi32>
    %swap3A_34 = vector.shape_cast %swap3A_33 : vector<1x512x512xi32> to vector<512x512xi32>
    %swap3A_35 = vector.shape_cast %select_n3A : vector<512x512xi32> to vector<1x512x512xi32>
    tpu.vector_store %arg6[%swap3A_30, %swap3A_31, %swap3A_32], %swap3A_35 {strides = array<i32>} : memref<1x512x512xi32, #tpu.memory_space<vmem>>, vector<1x512x512xi32>,
    return
  }
  func.func @transform_0(%arg0: i32) -> (i32, i32, i32) {
    %c0_i32 = arith.constant 0 : i32
    %c0_i32_0 = arith.constant 0 : i32
    %c0_i32_1 = arith.constant 0 : i32
    return %arg0, %c0_i32, %c0_i32_0 : i32, i32, i32
  }
  func.func @transform_1(%arg0: i32) -> (i32, i32) {
    %c0_i32 = arith.constant 0 : i32
    %c0_i32_0 = arith.constant 0 : i32
    %c0_i32_1 = arith.constant 0 : i32
    return %c0_i32, %c0_i32_0 : i32, i32
  }
  func.func @transform_2(%arg0: i32) -> i32 {
    %c0_i32 = arith.constant 0 : i32
    %c0_i32_0 = arith.constant 0 : i32
    return %c0_i32 : i32
  }
  func.func @transform_3(%arg0: i32) -> i32 {
    %c0_i32 = arith.constant 0 : i32
    %c0_i32_0 = arith.constant 0 : i32
    return %c0_i32 : i32
  }
  func.func @transform_4(%arg0: i32) -> i32 {
    %c0_i32 = arith.constant 0 : i32
    %c0_i32_0 = arith.constant 0 : i32
    return %c0_i32 : i32
  }
  func.func @transform_5(%arg0: i32) -> (i32, i32, i32) {
    %c0_i32 = arith.constant 0 : i32
    %c0_i32_0 = arith.constant 0 : i32
    %c0_i32_1 = arith.constant 0 : i32
    return %arg0, %c0_i32, %c0_i32_0 : i32, i32, i32
  }
}

module attributes {stable_mosaic.version = 14 : i64} {
  func.func @_thresh_body(%arg0: memref<16x512x512xi32, #tpu.memory_space<vmem>>, %arg1: memref<16x16xi32, #tpu.memory_space<vmem>>) attributes {dimension_semantics = [], scalar_prefetch = 0 : i64, scratch_operands = 0 : i64, tpu.core_type = #tpu.core_type<tc>} {
    %broadcast_in_dim3A = arith.constant 0 : i32
    %broadcast_in_dim3A_0 = vector.broadcast %broadcast_in_dim3A : i32 to vector<16xi32>
    %scan3A = arith.constant 0 : i32
    %scan3A_1 = arith.constant 32 : i32
    %scan3A_2 = arith.addi %scan3A, %scan3A_1 : i32
    %scan3A_3 = arith.constant 1 : i32
    %scan3A_4 = scf.for %scan3A_13 = %scan3A to %scan3A_2 step %scan3A_3 iter_args(%scan3A_14 = %broadcast_in_dim3A_0) -> (vector<16xi32>)  : i32 {
      %sub3A = arith.constant 31 : i32
      %sub3A_15 = arith.subi %sub3A, %scan3A_13 : i32
      %shift_left3A = arith.constant 1 : i32
      %shift_left3A_16 = arith.shli %shift_left3A, %sub3A_15 : i32
      %or3A = vector.broadcast %shift_left3A_16 : i32 to vector<16xi32>
      %or3A_17 = arith.ori %scan3A_14, %or3A : vector<16xi32>
      %xor3A_18 = arith.constant -2147483648 : i32
      %xor3A_19 = vector.broadcast %xor3A_18 : i32 to vector<16xi32>
      %xor3A_20 = arith.xori %or3A_17, %xor3A_19 : vector<16xi32>
      %get3A = arith.constant 0 : index
      %get3A_21 = arith.constant 0 : index
      %get3A_22 = arith.constant 0 : index
      %get3A_23 = vector.load %arg0[%get3A, %get3A_21, %get3A_22] : memref<16x512x512xi32, #tpu.memory_space<vmem>>, vector<16x512x512xi32>
      %broadcast_in_dim3A_24 = vector.shape_cast %xor3A_20 : vector<16xi32> to vector<16x1x1xi32>
      %ge3A = vector.broadcast %broadcast_in_dim3A_24 : vector<16x1x1xi32> to vector<16x512x512xi32>
      %ge3A_25 = arith.cmpi sge, %get3A_23, %ge3A : vector<16x512x512xi32>
      %convert_element_type3A = arith.extui %ge3A_25 : vector<16x512x512xi1> to vector<16x512x512xi32>
      %reduce_sum3A = arith.constant dense<0> : vector<16xi32>
      %reduce_sum3A_26 = vector.multi_reduction <add>, %convert_element_type3A, %reduce_sum3A [1, 2] : vector<16x512x512xi32> to vector<16xi32>
      %ge3A_27 = arith.constant 256 : i32
      %ge3A_28 = vector.broadcast %ge3A_27 : i32 to vector<16xi32>
      %ge3A_29 = arith.cmpi sge, %reduce_sum3A_26, %ge3A_28 : vector<16xi32>
      %select_n3A = arith.select %ge3A_29, %or3A_17, %scan3A_14 : vector<16xi1>, vector<16xi32>
      scf.yield %select_n3A : vector<16xi32>
    }
    %scan3A_5 = arith.constant 32 : i32
    %xor3A = arith.constant -2147483648 : i32
    %xor3A_6 = vector.broadcast %xor3A : i32 to vector<16xi32>
    %xor3A_7 = arith.xori %scan3A_4, %xor3A_6 : vector<16xi32>
    %broadcast_in_dim3A_8 = vector.shape_cast %xor3A_7 : vector<16xi32> to vector<16x1xi32>
    %broadcast_in_dim3A_9 = vector.shape_cast %broadcast_in_dim3A_8 : vector<16x1xi32> to vector<16x1xi32>
    %broadcast_in_dim3A_10 = vector.broadcast %broadcast_in_dim3A_9 : vector<16x1xi32> to vector<16x16xi32>
    %swap3A = arith.constant 0 : index
    %swap3A_11 = arith.constant 0 : index
    %swap3A_12 = vector.load %arg1[%swap3A, %swap3A_11] : memref<16x16xi32, #tpu.memory_space<vmem>>, vector<16x16xi32>
    tpu.vector_store %arg1[%swap3A, %swap3A_11], %broadcast_in_dim3A_10 {strides = array<i32>} : memref<16x16xi32, #tpu.memory_space<vmem>>, vector<16x16xi32>,
    return
  }
}

module attributes {stable_mosaic.version = 14 : i64} {
  func.func @_select_body(%arg0: i32, %arg1: memref<1x1x1536xi32, #tpu.memory_space<vmem>>, %arg2: memref<1x1536x1xi32, #tpu.memory_space<vmem>>, %arg3: memref<1x1x1536xi32, #tpu.memory_space<vmem>>, %arg4: memref<1x1536x1xi32, #tpu.memory_space<vmem>>, %arg5: memref<1x512x256xf32, #tpu.memory_space<vmem>>, %arg6: memref<1x512x256xf32, #tpu.memory_space<vmem>>, %arg7: memref<256x256xf32, #tpu.memory_space<vmem>>, %arg8: memref<256x256xf32, #tpu.memory_space<vmem>>, %arg9: memref<1x256xf32, #tpu.memory_space<vmem>>, %arg10: memref<256x256xf32, #tpu.memory_space<vmem>>, %arg11: memref<1x256xf32, #tpu.memory_space<vmem>>, %arg12: memref<1x256x256xf32, #tpu.memory_space<vmem>>) attributes {dimension_semantics = [#tpu.dimension_semantics<arbitrary>], iteration_bounds = array<i64: 16>, scalar_prefetch = 0 : i64, scratch_operands = 0 : i64, tpu.core_type = #tpu.core_type<tc>, window_params = [{transform_indices = @transform_0, window_bounds = array<i64: 1, 1, 1536>}, {transform_indices = @transform_1, window_bounds = array<i64: 1, 1536, 1>}, {transform_indices = @transform_2, window_bounds = array<i64: 1, 1, 1536>}, {transform_indices = @transform_3, window_bounds = array<i64: 1, 1536, 1>}, {transform_indices = @transform_4, window_bounds = array<i64: 1, 512, 256>}, {transform_indices = @transform_5, window_bounds = array<i64: 1, 512, 256>}, {pipeline_mode = #tpu.pipeline_mode<synchronous>, transform_indices = @transform_6, window_bounds = array<i64: 256, 256>}, {pipeline_mode = #tpu.pipeline_mode<synchronous>, transform_indices = @transform_7, window_bounds = array<i64: 256, 256>}, {pipeline_mode = #tpu.pipeline_mode<synchronous>, transform_indices = @transform_8, window_bounds = array<i64: 1, 256>}, {pipeline_mode = #tpu.pipeline_mode<synchronous>, transform_indices = @transform_9, window_bounds = array<i64: 256, 256>}, {pipeline_mode = #tpu.pipeline_mode<synchronous>, transform_indices = @transform_10, window_bounds = array<i64: 1, 256>}, {transform_indices = @transform_11, window_bounds = array<i64: 1, 256, 256>}]} {
    %get3A = arith.constant 0 : index
    %get3A_0 = arith.constant 0 : index
    %get3A_1 = arith.constant 0 : index
    %get3A_2 = vector.load %arg1[%get3A, %get3A_0, %get3A_1] : memref<1x1x1536xi32, #tpu.memory_space<vmem>>, vector<1x1x1536xi32>
    %get3A_3 = vector.shape_cast %get3A_2 : vector<1x1x1536xi32> to vector<1x1536xi32>
    %get3A_4 = arith.constant 0 : index
    %get3A_5 = arith.constant 0 : index
    %get3A_6 = arith.constant 0 : index
    %get3A_7 = vector.load %arg3[%get3A_4, %get3A_5, %get3A_6] : memref<1x1x1536xi32, #tpu.memory_space<vmem>>, vector<1x1x1536xi32>
    %get3A_8 = vector.shape_cast %get3A_7 : vector<1x1x1536xi32> to vector<1x1536xi32>
    %broadcast_in_dim3A = arith.constant 0 : i32
    %broadcast_in_dim3A_9 = vector.broadcast %broadcast_in_dim3A : i32 to vector<1x1536xi32>
    %get3A_10 = arith.constant 0 : index
    %get3A_11 = arith.constant 0 : index
    %get3A_12 = arith.constant 0 : index
    %get3A_13 = vector.load %arg2[%get3A_10, %get3A_11, %get3A_12] : memref<1x1536x1xi32, #tpu.memory_space<vmem>>, vector<1x1536x1xi32>
    %get3A_14 = vector.shape_cast %get3A_13 : vector<1x1536x1xi32> to vector<1536x1xi32>
    %slice3A = vector.extract_strided_slice %get3A_14 {offsets = [0, 0], sizes = [384, 1], strides = [1, 1]} : vector<1536x1xi32> to vector<384x1xi32>
    %get3A_15 = arith.constant 0 : index
    %get3A_16 = arith.constant 0 : index
    %get3A_17 = arith.constant 0 : index
    %get3A_18 = vector.load %arg4[%get3A_15, %get3A_16, %get3A_17] : memref<1x1536x1xi32, #tpu.memory_space<vmem>>, vector<1x1536x1xi32>
    %get3A_19 = vector.shape_cast %get3A_18 : vector<1x1536x1xi32> to vector<1536x1xi32>
    %slice3A_20 = vector.extract_strided_slice %get3A_19 {offsets = [0, 0], sizes = [384, 1], strides = [1, 1]} : vector<1536x1xi32> to vector<384x1xi32>
    %gt3A = vector.broadcast %slice3A : vector<384x1xi32> to vector<384x1536xi32>
    %gt3A_21 = vector.broadcast %get3A_3 : vector<1x1536xi32> to vector<384x1536xi32>
    %gt3A_22 = arith.cmpi sgt, %gt3A, %gt3A_21 : vector<384x1536xi32>
    %eq3A = vector.broadcast %slice3A : vector<384x1xi32> to vector<384x1536xi32>
    %eq3A_23 = vector.broadcast %get3A_3 : vector<1x1536xi32> to vector<384x1536xi32>
    %eq3A_24 = arith.cmpi eq, %eq3A, %eq3A_23 : vector<384x1536xi32>
    %lt3A = vector.broadcast %slice3A_20 : vector<384x1xi32> to vector<384x1536xi32>
    %lt3A_25 = vector.broadcast %get3A_8 : vector<1x1536xi32> to vector<384x1536xi32>
    %lt3A_26 = arith.cmpi slt, %lt3A, %lt3A_25 : vector<384x1536xi32>
    %and3A = arith.andi %eq3A_24, %lt3A_26 : vector<384x1536xi1>
    %or3A = arith.ori %gt3A_22, %and3A : vector<384x1536xi1>
    %convert_element_type3A = arith.extui %or3A : vector<384x1536xi1> to vector<384x1536xi32>
    %reduce_sum3A = arith.constant dense<0> : vector<1536xi32>
    %reduce_sum3A_27 = vector.multi_reduction <add>, %convert_element_type3A, %reduce_sum3A [0] : vector<384x1536xi32> to vector<1536xi32>
    %broadcast_in_dim3A_28 = vector.shape_cast %reduce_sum3A_27 : vector<1536xi32> to vector<1x1536xi32>
    %add3A = arith.addi %broadcast_in_dim3A_9, %broadcast_in_dim3A_28 : vector<1x1536xi32>
    %get3A_29 = arith.constant 0 : index
    %get3A_30 = arith.constant 0 : index
    %get3A_31 = arith.constant 0 : index
    %get3A_32 = vector.load %arg2[%get3A_29, %get3A_30, %get3A_31] : memref<1x1536x1xi32, #tpu.memory_space<vmem>>, vector<1x1536x1xi32>
    %get3A_33 = vector.shape_cast %get3A_32 : vector<1x1536x1xi32> to vector<1536x1xi32>
    %slice3A_34 = vector.extract_strided_slice %get3A_33 {offsets = [384, 0], sizes = [384, 1], strides = [1, 1]} : vector<1536x1xi32> to vector<384x1xi32>
    %get3A_35 = arith.constant 0 : index
    %get3A_36 = arith.constant 0 : index
    %get3A_37 = arith.constant 0 : index
    %get3A_38 = vector.load %arg4[%get3A_35, %get3A_36, %get3A_37] : memref<1x1536x1xi32, #tpu.memory_space<vmem>>, vector<1x1536x1xi32>
    %get3A_39 = vector.shape_cast %get3A_38 : vector<1x1536x1xi32> to vector<1536x1xi32>
    %slice3A_40 = vector.extract_strided_slice %get3A_39 {offsets = [384, 0], sizes = [384, 1], strides = [1, 1]} : vector<1536x1xi32> to vector<384x1xi32>
    %gt3A_41 = vector.broadcast %slice3A_34 : vector<384x1xi32> to vector<384x1536xi32>
    %gt3A_42 = vector.broadcast %get3A_3 : vector<1x1536xi32> to vector<384x1536xi32>
    %gt3A_43 = arith.cmpi sgt, %gt3A_41, %gt3A_42 : vector<384x1536xi32>
    %eq3A_44 = vector.broadcast %slice3A_34 : vector<384x1xi32> to vector<384x1536xi32>
    %eq3A_45 = vector.broadcast %get3A_3 : vector<1x1536xi32> to vector<384x1536xi32>
    %eq3A_46 = arith.cmpi eq, %eq3A_44, %eq3A_45 : vector<384x1536xi32>
    %lt3A_47 = vector.broadcast %slice3A_40 : vector<384x1xi32> to vector<384x1536xi32>
    %lt3A_48 = vector.broadcast %get3A_8 : vector<1x1536xi32> to vector<384x1536xi32>
    %lt3A_49 = arith.cmpi slt, %lt3A_47, %lt3A_48 : vector<384x1536xi32>
    %and3A_50 = arith.andi %eq3A_46, %lt3A_49 : vector<384x1536xi1>
    %or3A_51 = arith.ori %gt3A_43, %and3A_50 : vector<384x1536xi1>
    %convert_element_type3A_52 = arith.extui %or3A_51 : vector<384x1536xi1> to vector<384x1536xi32>
    %reduce_sum3A_53 = arith.constant dense<0> : vector<1536xi32>
    %reduce_sum3A_54 = vector.multi_reduction <add>, %convert_element_type3A_52, %reduce_sum3A_53 [0] : vector<384x1536xi32> to vector<1536xi32>
    %broadcast_in_dim3A_55 = vector.shape_cast %reduce_sum3A_54 : vector<1536xi32> to vector<1x1536xi32>
    %add3A_56 = arith.addi %add3A, %broadcast_in_dim3A_55 : vector<1x1536xi32>
    %get3A_57 = arith.constant 0 : index
    %get3A_58 = arith.constant 0 : index
    %get3A_59 = arith.constant 0 : index
    %get3A_60 = vector.load %arg2[%get3A_57, %get3A_58, %get3A_59] : memref<1x1536x1xi32, #tpu.memory_space<vmem>>, vector<1x1536x1xi32>
    %get3A_61 = vector.shape_cast %get3A_60 : vector<1x1536x1xi32> to vector<1536x1xi32>
    %slice3A_62 = vector.extract_strided_slice %get3A_61 {offsets = [768, 0], sizes = [384, 1], strides = [1, 1]} : vector<1536x1xi32> to vector<384x1xi32>
    %get3A_63 = arith.constant 0 : index
    %get3A_64 = arith.constant 0 : index
    %get3A_65 = arith.constant 0 : index
    %get3A_66 = vector.load %arg4[%get3A_63, %get3A_64, %get3A_65] : memref<1x1536x1xi32, #tpu.memory_space<vmem>>, vector<1x1536x1xi32>
    %get3A_67 = vector.shape_cast %get3A_66 : vector<1x1536x1xi32> to vector<1536x1xi32>
    %slice3A_68 = vector.extract_strided_slice %get3A_67 {offsets = [768, 0], sizes = [384, 1], strides = [1, 1]} : vector<1536x1xi32> to vector<384x1xi32>
    %gt3A_69 = vector.broadcast %slice3A_62 : vector<384x1xi32> to vector<384x1536xi32>
    %gt3A_70 = vector.broadcast %get3A_3 : vector<1x1536xi32> to vector<384x1536xi32>
    %gt3A_71 = arith.cmpi sgt, %gt3A_69, %gt3A_70 : vector<384x1536xi32>
    %eq3A_72 = vector.broadcast %slice3A_62 : vector<384x1xi32> to vector<384x1536xi32>
    %eq3A_73 = vector.broadcast %get3A_3 : vector<1x1536xi32> to vector<384x1536xi32>
    %eq3A_74 = arith.cmpi eq, %eq3A_72, %eq3A_73 : vector<384x1536xi32>
    %lt3A_75 = vector.broadcast %slice3A_68 : vector<384x1xi32> to vector<384x1536xi32>
    %lt3A_76 = vector.broadcast %get3A_8 : vector<1x1536xi32> to vector<384x1536xi32>
    %lt3A_77 = arith.cmpi slt, %lt3A_75, %lt3A_76 : vector<384x1536xi32>
    %and3A_78 = arith.andi %eq3A_74, %lt3A_77 : vector<384x1536xi1>
    %or3A_79 = arith.ori %gt3A_71, %and3A_78 : vector<384x1536xi1>
    %convert_element_type3A_80 = arith.extui %or3A_79 : vector<384x1536xi1> to vector<384x1536xi32>
    %reduce_sum3A_81 = arith.constant dense<0> : vector<1536xi32>
    %reduce_sum3A_82 = vector.multi_reduction <add>, %convert_element_type3A_80, %reduce_sum3A_81 [0] : vector<384x1536xi32> to vector<1536xi32>
    %broadcast_in_dim3A_83 = vector.shape_cast %reduce_sum3A_82 : vector<1536xi32> to vector<1x1536xi32>
    %add3A_84 = arith.addi %add3A_56, %broadcast_in_dim3A_83 : vector<1x1536xi32>
    %get3A_85 = arith.constant 0 : index
    %get3A_86 = arith.constant 0 : index
    %get3A_87 = arith.constant 0 : index
    %get3A_88 = vector.load %arg2[%get3A_85, %get3A_86, %get3A_87] : memref<1x1536x1xi32, #tpu.memory_space<vmem>>, vector<1x1536x1xi32>
    %get3A_89 = vector.shape_cast %get3A_88 : vector<1x1536x1xi32> to vector<1536x1xi32>
    %slice3A_90 = vector.extract_strided_slice %get3A_89 {offsets = [1152, 0], sizes = [384, 1], strides = [1, 1]} : vector<1536x1xi32> to vector<384x1xi32>
    %get3A_91 = arith.constant 0 : index
    %get3A_92 = arith.constant 0 : index
    %get3A_93 = arith.constant 0 : index
    %get3A_94 = vector.load %arg4[%get3A_91, %get3A_92, %get3A_93] : memref<1x1536x1xi32, #tpu.memory_space<vmem>>, vector<1x1536x1xi32>
    %get3A_95 = vector.shape_cast %get3A_94 : vector<1x1536x1xi32> to vector<1536x1xi32>
    %slice3A_96 = vector.extract_strided_slice %get3A_95 {offsets = [1152, 0], sizes = [384, 1], strides = [1, 1]} : vector<1536x1xi32> to vector<384x1xi32>
    %gt3A_97 = vector.broadcast %slice3A_90 : vector<384x1xi32> to vector<384x1536xi32>
    %gt3A_98 = vector.broadcast %get3A_3 : vector<1x1536xi32> to vector<384x1536xi32>
    %gt3A_99 = arith.cmpi sgt, %gt3A_97, %gt3A_98 : vector<384x1536xi32>
    %eq3A_100 = vector.broadcast %slice3A_90 : vector<384x1xi32> to vector<384x1536xi32>
    %eq3A_101 = vector.broadcast %get3A_3 : vector<1x1536xi32> to vector<384x1536xi32>
    %eq3A_102 = arith.cmpi eq, %eq3A_100, %eq3A_101 : vector<384x1536xi32>
    %lt3A_103 = vector.broadcast %slice3A_96 : vector<384x1xi32> to vector<384x1536xi32>
    %lt3A_104 = vector.broadcast %get3A_8 : vector<1x1536xi32> to vector<384x1536xi32>
    %lt3A_105 = arith.cmpi slt, %lt3A_103, %lt3A_104 : vector<384x1536xi32>
    %and3A_106 = arith.andi %eq3A_102, %lt3A_105 : vector<384x1536xi1>
    %or3A_107 = arith.ori %gt3A_99, %and3A_106 : vector<384x1536xi1>
    %convert_element_type3A_108 = arith.extui %or3A_107 : vector<384x1536xi1> to vector<384x1536xi32>
    %reduce_sum3A_109 = arith.constant dense<0> : vector<1536xi32>
    %reduce_sum3A_110 = vector.multi_reduction <add>, %convert_element_type3A_108, %reduce_sum3A_109 [0] : vector<384x1536xi32> to vector<1536xi32>
    %broadcast_in_dim3A_111 = vector.shape_cast %reduce_sum3A_110 : vector<1536xi32> to vector<1x1536xi32>
    %add3A_112 = arith.addi %add3A_84, %broadcast_in_dim3A_111 : vector<1x1536xi32>
    %iota3A = tpu.iota {dimensions = array<i32: 0>} : vector<256x1536xi32>
    %eq3A_113 = vector.broadcast %add3A_112 : vector<1x1536xi32> to vector<256x1536xi32>
    %eq3A_114 = arith.cmpi eq, %iota3A, %eq3A_113 : vector<256x1536xi32>
    %convert_element_type3A_115 = arith.sitofp %get3A_8 : vector<1x1536xi32> to vector<1x1536xf32>
    %broadcast_in_dim3A_116 = vector.shape_cast %convert_element_type3A_115 : vector<1x1536xf32> to vector<1x1536xf32>
    %broadcast_in_dim3A_117 = vector.broadcast %broadcast_in_dim3A_116 : vector<1x1536xf32> to vector<256x1536xf32>
    %jit3A = arith.constant 0.000000e+00 : f32
    %broadcast_in_dim3A_118 = vector.broadcast %jit3A : f32 to vector<256x1536xf32>
    %select_n3A = arith.select %eq3A_114, %broadcast_in_dim3A_117, %broadcast_in_dim3A_118 : vector<256x1536xi1>, vector<256x1536xf32>
    %reduce_sum3A_119 = arith.constant dense<0.000000e+00> : vector<256xf32>
    %reduce_sum3A_120 = vector.multi_reduction <add>, %select_n3A, %reduce_sum3A_119 [1] : vector<256x1536xf32> to vector<256xf32>
    %convert_element_type3A_121 = arith.fptosi %reduce_sum3A_120 : vector<256xf32> to vector<256xi32>
    %jit3A_122 = arith.constant 512 : i32
    %div3A = vector.broadcast %jit3A_122 : i32 to vector<256xi32>
    %div3A_123 = arith.divsi %convert_element_type3A_121, %div3A : vector<256xi32>
    %sign3A = arith.constant 0 : i32
    %sign3A_124 = vector.broadcast %sign3A : i32 to vector<256xi32>
    %sign3A_125 = arith.cmpi sgt, %convert_element_type3A_121, %sign3A_124 : vector<256xi32>
    %sign3A_126 = arith.extui %sign3A_125 : vector<256xi1> to vector<256xi32>
    %sign3A_127 = arith.constant 0 : i32
    %sign3A_128 = vector.broadcast %sign3A_127 : i32 to vector<256xi32>
    %sign3A_129 = arith.cmpi slt, %convert_element_type3A_121, %sign3A_128 : vector<256xi32>
    %sign3A_130 = arith.extui %sign3A_129 : vector<256xi1> to vector<256xi32>
    %sign3A_131 = arith.subi %sign3A_126, %sign3A_130 : vector<256xi32>
    %sign3A_132 = arith.constant 0 : i32
    %sign3A_133 = arith.cmpi sgt, %jit3A_122, %sign3A_132 : i32
    %sign3A_134 = arith.extui %sign3A_133 : i1 to i32
    %sign3A_135 = arith.constant 0 : i32
    %sign3A_136 = arith.cmpi slt, %jit3A_122, %sign3A_135 : i32
    %sign3A_137 = arith.extui %sign3A_136 : i1 to i32
    %sign3A_138 = arith.subi %sign3A_134, %sign3A_137 : i32
    %ne3A = vector.broadcast %sign3A_138 : i32 to vector<256xi32>
    %ne3A_139 = arith.cmpi ne, %sign3A_131, %ne3A : vector<256xi32>
    %rem3A = vector.broadcast %jit3A_122 : i32 to vector<256xi32>
    %rem3A_140 = arith.remsi %convert_element_type3A_121, %rem3A : vector<256xi32>
    %ne3A_141 = arith.constant 0 : i32
    %ne3A_142 = vector.broadcast %ne3A_141 : i32 to vector<256xi32>
    %ne3A_143 = arith.cmpi ne, %rem3A_140, %ne3A_142 : vector<256xi32>
    %and3A_144 = arith.andi %ne3A_139, %ne3A_143 : vector<256xi1>
    %sub3A = arith.constant 1 : i32
    %sub3A_145 = vector.broadcast %sub3A : i32 to vector<256xi32>
    %sub3A_146 = arith.subi %div3A_123, %sub3A_145 : vector<256xi32>
    %select_n3A_147 = arith.select %and3A_144, %sub3A_146, %div3A_123 : vector<256xi1>, vector<256xi32>
    %mul3A = arith.constant 512 : i32
    %mul3A_148 = vector.broadcast %mul3A : i32 to vector<256xi32>
    %mul3A_149 = arith.muli %select_n3A_147, %mul3A_148 : vector<256xi32>
    %sub3A_150 = arith.subi %convert_element_type3A_121, %mul3A_149 : vector<256xi32>
    %broadcast_in_dim3A_151 = vector.shape_cast %select_n3A_147 : vector<256xi32> to vector<256x1xi32>
    %iota3A_152 = tpu.iota {dimensions = array<i32: 1>} : vector<256x512xi32>
    %eq3A_153 = vector.broadcast %broadcast_in_dim3A_151 : vector<256x1xi32> to vector<256x512xi32>
    %eq3A_154 = arith.cmpi eq, %eq3A_153, %iota3A_152 : vector<256x512xi32>
    %convert_element_type3A_155 = arith.extui %eq3A_154 : vector<256x512xi1> to vector<256x512xi32>
    %convert_element_type3A_156 = arith.sitofp %convert_element_type3A_155 : vector<256x512xi32> to vector<256x512xf32>
    %broadcast_in_dim3A_157 = vector.shape_cast %sub3A_150 : vector<256xi32> to vector<256x1xi32>
    %iota3A_158 = tpu.iota {dimensions = array<i32: 1>} : vector<256x512xi32>
    %eq3A_159 = vector.broadcast %broadcast_in_dim3A_157 : vector<256x1xi32> to vector<256x512xi32>
    %eq3A_160 = arith.cmpi eq, %eq3A_159, %iota3A_158 : vector<256x512xi32>
    %convert_element_type3A_161 = arith.extui %eq3A_160 : vector<256x512xi1> to vector<256x512xi32>
    %convert_element_type3A_162 = arith.sitofp %convert_element_type3A_161 : vector<256x512xi32> to vector<256x512xf32>
    %get3A_163 = arith.constant 0 : index
    %get3A_164 = arith.constant 0 : index
    %get3A_165 = arith.constant 0 : index
    %get3A_166 = vector.load %arg5[%get3A_163, %get3A_164, %get3A_165] : memref<1x512x256xf32, #tpu.memory_space<vmem>>, vector<1x512x256xf32>
    %get3A_167 = vector.shape_cast %get3A_166 : vector<1x512x256xf32> to vector<512x256xf32>
    %dot_general3A = arith.constant dense<0.000000e+00> : vector<256x256xf32>
    %dot_general3A_168 = tpu.matmul %convert_element_type3A_156, %get3A_167, %dot_general3A {dimension_numbers = #tpu.dot_dimension_numbers<[1], [0], [0], [1], [0, 0, 1, 1], [], []>, transpose_lhs_hint = false} : vector<256x512xf32>, vector<512x256xf32>, vector<256x256xf32> -> vector<256x256xf32>
    %get3A_169 = arith.constant 0 : index
    %get3A_170 = arith.constant 0 : index
    %get3A_171 = arith.constant 0 : index
    %get3A_172 = vector.load %arg6[%get3A_169, %get3A_170, %get3A_171] : memref<1x512x256xf32, #tpu.memory_space<vmem>>, vector<1x512x256xf32>
    %get3A_173 = vector.shape_cast %get3A_172 : vector<1x512x256xf32> to vector<512x256xf32>
    %dot_general3A_174 = arith.constant dense<0.000000e+00> : vector<256x256xf32>
    %dot_general3A_175 = tpu.matmul %convert_element_type3A_162, %get3A_173, %dot_general3A_174 {dimension_numbers = #tpu.dot_dimension_numbers<[1], [0], [0], [1], [0, 0, 1, 1], [], []>, transpose_lhs_hint = false} : vector<256x512xf32>, vector<512x256xf32>, vector<256x256xf32> -> vector<256x256xf32>
    %get3A_176 = arith.constant 0 : index
    %get3A_177 = arith.constant 0 : index
    %get3A_178 = vector.load %arg7[%get3A_176, %get3A_177] : memref<256x256xf32, #tpu.memory_space<vmem>>, vector<256x256xf32>
    %dot_general3A_179 = arith.constant dense<0.000000e+00> : vector<256x256xf32>
    %dot_general3A_180 = tpu.matmul %dot_general3A_168, %get3A_178, %dot_general3A_179 {dimension_numbers = #tpu.dot_dimension_numbers<[1], [1], [0], [0], [0, 0, 1, 0], [], []>, transpose_lhs_hint = false} : vector<256x256xf32>, vector<256x256xf32>, vector<256x256xf32> -> vector<256x256xf32>
    %get3A_181 = arith.constant 0 : index
    %get3A_182 = arith.constant 0 : index
    %get3A_183 = vector.load %arg8[%get3A_181, %get3A_182] : memref<256x256xf32, #tpu.memory_space<vmem>>, vector<256x256xf32>
    %dot_general3A_184 = arith.constant dense<0.000000e+00> : vector<256x256xf32>
    %dot_general3A_185 = tpu.matmul %dot_general3A_175, %get3A_183, %dot_general3A_184 {dimension_numbers = #tpu.dot_dimension_numbers<[1], [1], [0], [0], [0, 0, 1, 0], [], []>, transpose_lhs_hint = false} : vector<256x256xf32>, vector<256x256xf32>, vector<256x256xf32> -> vector<256x256xf32>
    %add3A_186 = arith.addf %dot_general3A_180, %dot_general3A_185 : vector<256x256xf32>
    %get3A_187 = arith.constant 0 : index
    %get3A_188 = arith.constant 0 : index
    %get3A_189 = vector.load %arg9[%get3A_187, %get3A_188] : memref<1x256xf32, #tpu.memory_space<vmem>>, vector<1x256xf32>
    %add3A_190 = vector.broadcast %get3A_189 : vector<1x256xf32> to vector<256x256xf32>
    %add3A_191 = arith.addf %add3A_186, %add3A_190 : vector<256x256xf32>
    %max3A = arith.constant 0.000000e+00 : f32
    %max3A_192 = vector.broadcast %max3A : f32 to vector<256x256xf32>
    %max3A_193 = arith.maximumf %add3A_191, %max3A_192 : vector<256x256xf32>
    %get3A_194 = arith.constant 0 : index
    %get3A_195 = arith.constant 0 : index
    %get3A_196 = vector.load %arg10[%get3A_194, %get3A_195] : memref<256x256xf32, #tpu.memory_space<vmem>>, vector<256x256xf32>
    %dot_general3A_197 = arith.constant dense<0.000000e+00> : vector<256x256xf32>
    %dot_general3A_198 = tpu.matmul %max3A_193, %get3A_196, %dot_general3A_197 {dimension_numbers = #tpu.dot_dimension_numbers<[1], [1], [0], [0], [0, 0, 1, 0], [], []>, transpose_lhs_hint = false} : vector<256x256xf32>, vector<256x256xf32>, vector<256x256xf32> -> vector<256x256xf32>
    %get3A_199 = arith.constant 0 : index
    %get3A_200 = arith.constant 0 : index
    %get3A_201 = vector.load %arg11[%get3A_199, %get3A_200] : memref<1x256xf32, #tpu.memory_space<vmem>>, vector<1x256xf32>
    %add3A_202 = vector.broadcast %get3A_201 : vector<1x256xf32> to vector<256x256xf32>
    %add3A_203 = arith.addf %dot_general3A_198, %add3A_202 : vector<256x256xf32>
    %swap3A = arith.constant 0 : index
    %swap3A_204 = arith.constant 0 : index
    %swap3A_205 = arith.constant 0 : index
    %swap3A_206 = vector.load %arg12[%swap3A, %swap3A_204, %swap3A_205] : memref<1x256x256xf32, #tpu.memory_space<vmem>>, vector<1x256x256xf32>
    %swap3A_207 = vector.shape_cast %swap3A_206 : vector<1x256x256xf32> to vector<256x256xf32>
    %swap3A_208 = vector.shape_cast %add3A_203 : vector<256x256xf32> to vector<1x256x256xf32>
    tpu.vector_store %arg12[%swap3A, %swap3A_204, %swap3A_205], %swap3A_208 {strides = array<i32>} : memref<1x256x256xf32, #tpu.memory_space<vmem>>, vector<1x256x256xf32>,
    return
  }
  func.func @transform_0(%arg0: i32) -> (i32, i32, i32) {
    %c0_i32 = arith.constant 0 : i32
    %c0_i32_0 = arith.constant 0 : i32
    %c0_i32_1 = arith.constant 0 : i32
    return %arg0, %c0_i32, %c0_i32_0 : i32, i32, i32
  }
  func.func @transform_1(%arg0: i32) -> (i32, i32, i32) {
    %c0_i32 = arith.constant 0 : i32
    %c0_i32_0 = arith.constant 0 : i32
    %c0_i32_1 = arith.constant 0 : i32
    return %arg0, %c0_i32, %c0_i32_0 : i32, i32, i32
  }
  func.func @transform_2(%arg0: i32) -> (i32, i32, i32) {
    %c0_i32 = arith.constant 0 : i32
    %c0_i32_0 = arith.constant 0 : i32
    %c0_i32_1 = arith.constant 0 : i32
    return %arg0, %c0_i32, %c0_i32_0 : i32, i32, i32
  }
  func.func @transform_3(%arg0: i32) -> (i32, i32, i32) {
    %c0_i32 = arith.constant 0 : i32
    %c0_i32_0 = arith.constant 0 : i32
    %c0_i32_1 = arith.constant 0 : i32
    return %arg0, %c0_i32, %c0_i32_0 : i32, i32, i32
  }
  func.func @transform_4(%arg0: i32) -> (i32, i32, i32) {
    %c0_i32 = arith.constant 0 : i32
    %c0_i32_0 = arith.constant 0 : i32
    %c0_i32_1 = arith.constant 0 : i32
    return %arg0, %c0_i32, %c0_i32_0 : i32, i32, i32
  }
  func.func @transform_5(%arg0: i32) -> (i32, i32, i32) {
    %c0_i32 = arith.constant 0 : i32
    %c0_i32_0 = arith.constant 0 : i32
    %c0_i32_1 = arith.constant 0 : i32
    return %arg0, %c0_i32, %c0_i32_0 : i32, i32, i32
  }
  func.func @transform_6(%arg0: i32) -> (i32, i32) {
    %c0_i32 = arith.constant 0 : i32
    %c0_i32_0 = arith.constant 0 : i32
    %c0_i32_1 = arith.constant 0 : i32
    return %c0_i32, %c0_i32_0 : i32, i32
  }
  func.func @transform_7(%arg0: i32) -> (i32, i32) {
    %c0_i32 = arith.constant 0 : i32
    %c0_i32_0 = arith.constant 0 : i32
    %c0_i32_1 = arith.constant 0 : i32
    return %c0_i32, %c0_i32_0 : i32, i32
  }
  func.func @transform_8(%arg0: i32) -> (i32, i32) {
    %c0_i32 = arith.constant 0 : i32
    %c0_i32_0 = arith.constant 0 : i32
    %c0_i32_1 = arith.constant 0 : i32
    return %c0_i32, %c0_i32_0 : i32, i32
  }
  func.func @transform_9(%arg0: i32) -> (i32, i32) {
    %c0_i32 = arith.constant 0 : i32
    %c0_i32_0 = arith.constant 0 : i32
    %c0_i32_1 = arith.constant 0 : i32
    return %c0_i32, %c0_i32_0 : i32, i32
  }
  func.func @transform_10(%arg0: i32) -> (i32, i32) {
    %c0_i32 = arith.constant 0 : i32
    %c0_i32_0 = arith.constant 0 : i32
    %c0_i32_1 = arith.constant 0 : i32
    return %c0_i32, %c0_i32_0 : i32, i32
  }
  func.func @transform_11(%arg0: i32) -> (i32, i32, i32) {
    %c0_i32 = arith.constant 0 : i32
    %c0_i32_0 = arith.constant 0 : i32
    %c0_i32_1 = arith.constant 0 : i32
    return %arg0, %c0_i32, %c0_i32_0 : i32, i32, i32
  }
}

</mosaic_0001>

<sc_bundles>
// kernel: kernel.7.cloned.1.call-start
scs
__scs_entry_jumppad:
0x0: {  	(pc) =	sbr.rel $0x88, $3  }
0x1: {  	(tag) =	ssettag $0x0;
	lr =	simm.s32 $0x1  }
0x2: {  	[smem:$0x3F90] =	sst lr;
	_ =	strace $0xD0000000  }
0x3: {  	_ = 	snop  }
0x4: {  	_ = 	snop  }
0x5: {  	_ = 	snop  }
0x6: {  	_ = 	snop  }
0x7: {  	_ = 	snop  }
__scs_overlays_trampoline_lowered:
0x8: {  	[smem:$0x3F9F] =	sst s0  }
0x9: {  	[smem:$0x3FA0] =	sst s1  }
0xa: {  	[smem:$0x3FA1] =	sst s2  }
0xb: {  	[smem:$0x3FA2] =	sst s3  }
0xc: {  	[smem:$0x3FA3] =	sst s4  }
0xd: {  	[smem:$0x3FA4] =	sst s5  }
0xe: {  	[smem:$0x3FA5] =	sst s6  }
0xf: {  	[smem:$0x3FA6] =	sst s7  }
0x10: {  	[smem:$0x3FA7] =	sst s8  }
0x11: {  	[smem:$0x3FA8] =	sst s9;
	s0 =	simm.s32 @!p0 $0x0  }
0x12: {  	s1 =	sld [smem:$0x3F8E];
	s0 =	simm.s32 @p0 $0x1  }
0x13: {  	[smem:$0x3FA9] =	sst s0;
	s0 =	simm.s32 @!p1 $0x0  }
0x14: {  	s2 =	sld [smem:$0x3F8D];
	s0 =	simm.s32 @p1 $0x1  }
0x15: {  	[smem:$0x3FAA] =	sst s0;
	s0 =	simm.s32 @!p2 $0x0  }
0x16: {  	s3 =	sld [smem:$0x3FDB];
	s0 =	simm.s32 @p2 $0x1  }
0x17: {  	s4 =	simm.s32 $0x1BF5;
	[smem:$0x3FAC] =	sst s0  }
0x18: {  	s0 =	sld [smem:$0x3F8F];
	_ =	swait.ge [sflag:s4], $0x0  }
0x19: {  	s7 =	sld [smem:$0x3F90]  }
0x1a: {  	s8 =	sadd.s32 $0xFFFFE003, lr  }
0x1b: {  	s9 =	sadd.s32 $0xFFFFFEF7, lr;
	s5 =	simm.s32 $0xFFFFFFFF;
	p2 =	slt.u32 s8, $0xFFFFF086  }
0x1c: {  	p1 =	slt.u32 s9, $0xF7A;
	s5 =	simm.s32 @!p2 $0x0  }
0x1d: {  	s5 =	simm.s32 @p1 $0x1;
	p0 =	seq.s32 s7, s2  }
0x1e: {  	s7 =	smul.u32 @!p0 $0xF7A, s2;
	p2 =	seq.s32 @!p0 s5, $0x0  }
0x1f: {  	s9 =	smul.u32 $0xF7A, s1;
	s8 =	simm.s32 @!p0 $0x1BF5;
	p2 =	por !p2, p0  }
0x20: {  	[sflag:s8] =	ssyncset.s32 @!p0 $0xFFFFF086;
	s6 =	sadd.s32 @!p0 s3, s7;
	s7 =	simm.s32 @!p0 $0x108  }
0x21: {  	s3 =	sadd.s32 s3, s9;
	s6 =	sadd.s32 @!p0 $0x88, s6;
	s7 =	simm.s32 @p2 $0x1082  }
0x22: {  	[simem:s7], [sflag:s8] =	dma.local @!p0 [hbm:s6], $0xF7A  }
0x23: {  	s9 =	sor.u32 $0xD0000000, s2;
	s6 =	simm.s32 $0x108;
	_ =	swait.ge @!p0 [sflag:s8], $0x0  }
0x24: {  	s3 =	sadd.s32 $0x88, s3;
	s6 =	simm.s32 @!p1 $0x1082;
	[sflag:s4] =	ssyncset.s32 $0xFFFFF086  }
0x25: {  	[simem:s6], [sflag:s4] =	dma.local [hbm:s3], $0xF7A  }
0x26: {  	[smem:$0x3F90] =	sst s1;
	(tag) =	ssettag s2;
	_ =	strace s9  }
0x27: {  	s1 =	sld [smem:$0x3FA0]  }
0x28: {  	s2 =	sld [smem:$0x3FA1]  }
0x29: {  	s4 =	sld [smem:$0x3FA3]  }
0x2a: {  	p0 =	seq.s32 s5, $0x0;
	s5 =	sld [smem:$0x3FA4]  }
0x2b: {  	s6 =	sld [smem:$0x3FA5]  }
0x2c: {  	s7 =	sld [smem:$0x3FA6]  }
0x2d: {  	s3 =	simm.s32 $0x108;
	s8 =	sld [smem:$0x3FA7]  }
0x2e: {  	s3 =	simm.s32 @!p0 $0x1082;
	s9 =	sld [smem:$0x3FA8]  }
0x2f: {  	lr =	sadd.s32 s0, s3;
	s0 =	sld [smem:$0x3F9F]  }
0x30: {  	s3 =	sld [smem:$0x3FA2]  }
0x31: {  	[smem:$0x3FAB] =	sst s10  }
0x32: {  	s10 =	sld [smem:$0x3FA9];
	_ =	sdelay $0x3  }
0x33: {  	p0 =	seq.s32 s10, $0x1;
	s10 =	sld [smem:$0x3FAB];
	_ =	sdelay $0x3  }
0x34: {  	[smem:$0x3FAB] =	sst s10  }
0x35: {  	s10 =	sld [smem:$0x3FAA];
	_ =	sdelay $0x3  }
0x36: {  	p1 =	seq.s32 s10, $0x1;
	s10 =	sld [smem:$0x3FAB];
	_ =	sdelay $0x3  }
0x37: {  	[smem:$0x3FAB] =	sst s10  }
0x38: {  	s10 =	sld [smem:$0x3FAC]  }
0x39: {  	_ = 	snop;
	(pc) =	sbr.ind lr, $3  }
0x3a: {  	_ = 	snop  }
0x3b: {  	_ = 	snop  }
0x3c: {  	p2 =	seq.s32 s10, $0x1;
	s10 =	sld [smem:$0x3FAB]  }
0x3d: {  	_ =	shalt  }
0x3e: {  	_ =	shalt  }
0x3f: {  	_ =	shalt  }
0x40: {  	_ =	shalt  }
0x41: {  	_ =	shalt  }
0x42: {  	_ =	shalt  }
0x43: {  	_ =	shalt  }
0x44: {  	_ =	shalt  }
0x45: {  	_ =	shalt  }
0x46: {  	_ =	shalt  }
0x47: {  	_ =	shalt  }
0x48: {  	_ =	shalt  }
0x49: {  	_ =	shalt  }
0x4a: {  	_ =	shalt  }
0x4b: {  	_ =	shalt  }
0x4c: {  	_ =	shalt  }
0x4d: {  	_ =	shalt  }
0x4e: {  	_ =	shalt  }
0x4f: {  	_ =	shalt  }
0x50: {  	_ =	shalt  }
0x51: {  	_ =	shalt  }
0x52: {  	_ =	shalt  }
0x53: {  	_ =	shalt  }
0x54: {  	_ =	shalt  }
0x55: {  	_ =	shalt  }
0x56: {  	_ =	shalt  }
0x57: {  	_ =	shalt  }
0x58: {  	_ =	shalt  }
0x59: {  	_ =	shalt  }
0x5a: {  	_ =	shalt  }
0x5b: {  	_ =	shalt  }
0x5c: {  	_ =	shalt  }
0x5d: {  	_ =	shalt  }
0x5e: {  	_ =	shalt  }
0x5f: {  	_ =	shalt  }
0x60: {  	_ =	shalt  }
0x61: {  	_ =	shalt  }
0x62: {  	_ =	shalt  }
0x63: {  	_ =	shalt  }
0x64: {  	_ =	shalt  }
0x65: {  	_ =	shalt  }
0x66: {  	_ =	shalt  }
0x67: {  	_ =	shalt  }
0x68: {  	_ =	shalt  }
0x69: {  	_ =	shalt  }
0x6a: {  	_ =	shalt  }
0x6b: {  	_ =	shalt  }
0x6c: {  	_ =	shalt  }
0x6d: {  	_ =	shalt  }
0x6e: {  	_ =	shalt  }
0x6f: {  	_ =	shalt  }
0x70: {  	_ =	shalt  }
0x71: {  	_ =	shalt  }
0x72: {  	_ =	shalt  }
0x73: {  	_ =	shalt  }
0x74: {  	_ =	shalt  }
0x75: {  	_ =	shalt  }
0x76: {  	_ =	shalt  }
0x77: {  	_ =	shalt  }
0x78: {  	_ =	shalt  }
0x79: {  	_ =	shalt  }
0x7a: {  	_ =	shalt  }
0x7b: {  	_ =	shalt  }
0x7c: {  	_ =	shalt  }
0x7d: {  	_ =	shalt  }
0x7e: {  	_ =	shalt  }
0x7f: {  	_ =	shalt  }
0x80: {  	_ =	shalt  }
0x81: {  	_ =	shalt  }
0x82: {  	_ =	shalt  }
0x83: {  	_ =	shalt  }
0x84: {  	_ =	shalt  }
0x85: {  	_ =	shalt  }
0x86: {  	_ =	shalt  }
0x87: {  	_ =	shalt  }
.Lfunc_end0:
.L_simem_size_0:
called_computation_lowered:
.L_overlay_start_0:
0x88: {  	s2 =	sld [smem:$0x3FD9]  }
0x89: {  	s3 =	sld [smem:$0x3FFE];
	_ =	sdelay $0x1  }
0x8a: {  	s1 =	srdreg.scid  }
0x8b: {  	s0 =	sand.u32 $0x1, s1  }
0x8c: {  	s17 =	sshll.u32 s0, $0xA;
	s2 =	sadd.s32 s3, s2  }
0x8d: {  	s2 =	sadd.s32 s2, s17  }
0x8e: {  	[smem:$0x3FB7] =	sst s2  }
0x8f: {  	_ = 	snop  }
0x90: {  	s2 =	sld [smem:$0x3FD0];
	(tm) =	ssettm $0x1  }
0x91: {  	s18 =	sld [smem:$0x3FFB];
	_ =	sdelay $0x3  }
0x92: {  	_ =	strace s18  }
0x93: {  	s3 =	sld [smem:$0x3FFC];
	_ =	sdelay $0x3  }
0x94: {  	_ =	strace s3  }
0x95: {  	s3 =	sld [smem:$0x3FFD];
	_ =	sdelay $0x3  }
0x96: {  	_ =	strace s3  }
0x97: {  	_ =	strace $0x8FFFFFFF  }
0x98: {  	s19 =	sld [smem:$0x3FDB];
	_ =	sdelay $0x1  }
0x99: {  	s4 =	simm.s32 $_scs_section_size  }
0x9a: {  	s5 =	simm.s32 $_size__tile_overlayer_lowered;
	s6 =	simm.s32 $_tile_overlayer_lowered  }
0x9b: {  	s22 =	simm.s32 $0x1BFF;
	s21 =	sshll.u32 s6, $0x1;
	s3 =	sadd.s32 s4, s19  }
0x9c: {  	s7 =	simm.s32 $0x0;
	s20 =	sshll.u32 s5, $0x1;
	s5 =	sadd.s32 s21, s3  }
0x9d: {  	[timem:s7], [sflag:s22] =	dma.local [hbm:s5], s20  }
0x9e: {  	_ =	swait.ge [sflag:s22], s20  }
0x9f: {  	s4 =	ssub.s32 $0x0, s20;
	[sflag:s22] =	ssyncset.done $0x0  }
0xa0: {  	[sflag:s22] =	ssyncadd.s32 s4;
	_ =	sdelay $0x1  }
0xa1: {  	s23 =	simm.s32 $0x1B8B  }
0xa2: {  	_ =	swait.ge [sflag:s23], $0x1  }
0xa3: {  	[sflag:s23] =	ssyncset.done $0x0  }
0xa4: {  	s25 =	simm.s32 $0x1B8E;
	s24 =	sld [smem:$0x3FFE];
	[sflag:s23] =	ssyncadd.s32 $0xFFFFFFFF  }
0xa5: {  	s26 =	simm.s32 $execute0_lowered;
	[smem:$0x3FD2] =	sst s25  }
0xa6: {  	s5 =	sshll.u32 s26, $0x1;
	_ =	strace $0x80000046;
	[dreg:$0x1] =	wrdreg $0xFFFFFFFF  }
0xa7: {  	s28 =	simm.s32 $_size_execute0_lowered;
	s3 =	sadd.s32 s3, s5;
	[dreg:$0x0] =	wrdreg $0x0  }
0xa8: {  	s5 =	sshll.u32 s28, $0x1;
	[dreg:$0x2] =	wrdreg s3  }
0xa9: {  	[dreg:$0x3] =	wrdreg s5  }
0xaa: {  	[dreg:$0x4] =	wrdreg $0xC0  }
0xab: {  	_ =	task [dreg:s7], $0x5FFFF  }
0xac: {  	[dreg:$0x1] =	wrdreg $0xFFFFFFFF  }
0xad: {  	[dreg:$0x0] =	wrdreg $0x60  }
0xae: {  	[dreg:$0x2] =	wrdreg s24  }
0xaf: {  	[dreg:$0x3] =	wrdreg s2  }
0xb0: {  	[dreg:$0x4] =	wrdreg $0x9  }
0xb1: {  	_ =	task.clear_ibuf [dreg:s7], $0x5FFFF;
	_ =	strace $0x90000046  }
0xb2: {  	s29 =	simm.s32 $0x9;
	_ =	strace $0x80000048  }
0xb3: {  	_ =	swait.ge [sflag:s29], $0x1  }
0xb4: {  	[sflag:s29] =	ssyncadd.s32 $0xFFFFFFFF  }
0xb5: {  	_ =	strace $0x90000048  }
0xb6: {  	_ =	sfence  }
0xb7: {  	s30 =	sld [smem:$0x0];
	_ =	sdelay $0x2  }
0xb8: {  	s31 =	sshll.u32 s1, $0xD;
	s1 =	sshrl.u32 s1, $0x2  }
0xb9: {  	s3 =	sand.u32 $0x4000, s31;
	s1 =	sadd.s32 s1, s30  }
0xba: {  	s0 =	sor.u32 s3, s0;
	s1 =	sshll.u32 s1, $0x11  }
0xbb: {  	s0 =	sor.u32 s1, s0  }
0xbc: {  	s0 =	sadd.s32 $0x8F2B, s0  }
0xbd: {  	[sflag:s0] =	ssyncadd.remote.s32 $0x1  }
0xbe: {  	_ =	sfence.sel $0xFFFF  }
0xbf: {  	[dreg:$0x0] =	wrdreg $0xFFFFFFFF;
	(pc) =	sbr.abs _section_cstart, $3  }
0xc0: {  	[dreg:$0x1] =	wrdreg $0xFFFFFFFF  }
0xc1: {  	_ =	task.clear_ibuf [dreg:s7], $0x2FFFF;
	_ =	strace $0x9FFFFFFF  }
0xc2: {  	(tm) =	ssettm $0x7FFFFFFF  }
0xc3: {  	_ =	shalt  }
tec
execute0_lowered:
.L_overlay_start_1:
0x0: {  	(tag) =	ssettag $0x1  }
0x1: {  	s3 =	rddreg [dreg:$0x0];
	s1 =	srdreg.scid  }
0x2: {  	s0 =	stileid.u32;
	s8 =	rddreg [dreg:$0x1]  }
0x3: {  	s2 =	simm.s32 $0x0;
	s12 =	simm.s32 $0x4010;
	s13 =	simm.s32 $0x4110  }
0x4: {  	s14 =	simm.s32 $0x4210;
	s4 =	sand.u32 $0x1, s1;
	s1 =	rddreg [dreg:$0x2]  }
0x5: {  	s15 =	simm.s32 $0x0;
	s5 =	sshll.u32 s0, $0x1;
	[smem:$0x7FF] =	sst s2  }
0x6: {  	s7 =	sor.u32 s4, s5;
	_ =	strace $0x80000047;
	s10 =	ssub.s32 $0x2, s4  }
0x7: {  	s4 =	sshll.u32 s4, $0x11;
	s5 =	sshll.u32 s7, $0xE;
	s6 =	sshll.u32 s7, $0x1  }
0x8: {  	s9 =	sshll.u32 s7, $0x5;
	s31 =	sshrl.u32 s10, $0x1;
	s11 =	sshll.u32 s7, $0x6  }
0x9: {  	s5 =	sadd.s32 s5, s3;
	s6 =	sadd.s32 s6, s3;
	s9 =	sadd.s32 s9, s3  }
0xa: {  	s10 =	ssub.s32 s10, s31;
	s8 =	sadd.s32 s8, s11;
	s11 =	simm.s32 $0x1  }
0xb: {  	v0 =	vimm.s32 $0x80000000;
	s3 =	sadd.s32 $0x43400, s6;
	s5 =	sadd.s32 $0x43600, s5;
	s6 =	sadd.s32 $0xC3600, s9  }
0xc: {  	v1 =	vimm.s32 $0x0;
	v2 =	vimm.s32 $0x100000;
	v3 =	vlaneseq.u32;
	s7 =	sadd.s32 $0xC3A00, s9;
	s9 =	smax.u32 s10, $0x1;
	s10 =	simm.s32 $0x4000  }
.LBB2_1:
0xd: {  	[tilespmem:s10], [sflag:$0x1] =	stream.linear.gather [hbm4b:s3+s2], $0x10, $0x38;
	[tilespmem:$0x4430] =	vst v63  }
0xe: {  	_ =	swait.ge [sflag:s11], $0x10  }
0xf: {  	[sflag:s11] =	ssyncset.done $0x0  }
0x10: {  	[sflag:s11] =	ssyncadd.s32 $0xFFFFFFF0  }
0x11: {  	[tilespmem:$0x4110] =	vst v0  }
0x12: {  	[tilespmem:$0x4010] =	vst v1  }
0x13: {  	[tilespmem:$0x4120] =	vst v0  }
0x14: {  	[tilespmem:$0x4020] =	vst v1  }
0x15: {  	[tilespmem:$0x4130] =	vst v0  }
0x16: {  	[tilespmem:$0x4030] =	vst v1  }
0x17: {  	[tilespmem:$0x4140] =	vst v0  }
0x18: {  	[tilespmem:$0x4040] =	vst v1  }
0x19: {  	[tilespmem:$0x4150] =	vst v0  }
0x1a: {  	[tilespmem:$0x4050] =	vst v1  }
0x1b: {  	[tilespmem:$0x4160] =	vst v0  }
0x1c: {  	[tilespmem:$0x4060] =	vst v1  }
0x1d: {  	[tilespmem:$0x4170] =	vst v0  }
0x1e: {  	[tilespmem:$0x4070] =	vst v1  }
0x1f: {  	[tilespmem:$0x4180] =	vst v0  }
0x20: {  	[tilespmem:$0x4080] =	vst v1  }
0x21: {  	[tilespmem:$0x4190] =	vst v0  }
0x22: {  	[tilespmem:$0x4090] =	vst v1  }
0x23: {  	[tilespmem:$0x41A0] =	vst v0  }
0x24: {  	[tilespmem:$0x40A0] =	vst v1  }
0x25: {  	[tilespmem:$0x41B0] =	vst v0  }
0x26: {  	[tilespmem:$0x40B0] =	vst v1  }
0x27: {  	[tilespmem:$0x41C0] =	vst v0  }
0x28: {  	[tilespmem:$0x40C0] =	vst v1  }
0x29: {  	[tilespmem:$0x41D0] =	vst v0  }
0x2a: {  	[tilespmem:$0x40D0] =	vst v1  }
0x2b: {  	[tilespmem:$0x41E0] =	vst v0  }
0x2c: {  	[tilespmem:$0x40E0] =	vst v1  }
0x2d: {  	[tilespmem:$0x41F0] =	vst v0  }
0x2e: {  	[tilespmem:$0x40F0] =	vst v1  }
0x2f: {  	[tilespmem:$0x4200] =	vst v0  }
0x30: {  	[tilespmem:$0x4100] =	vst v1  }
0x31: {  	[tilespmem:$0x4210] =	vst v2  }
0x32: {  	[tilespmem:$0x4220] =	vst v2  }
0x33: {  	[tilespmem:$0x4230] =	vst v2  }
0x34: {  	[tilespmem:$0x4240] =	vst v2  }
0x35: {  	[tilespmem:$0x4250] =	vst v2  }
0x36: {  	[tilespmem:$0x4260] =	vst v2  }
0x37: {  	[tilespmem:$0x4270] =	vst v2  }
0x38: {  	[tilespmem:$0x4280] =	vst v2  }
0x39: {  	[tilespmem:$0x4290] =	vst v2  }
0x3a: {  	[tilespmem:$0x42A0] =	vst v2  }
0x3b: {  	[tilespmem:$0x42B0] =	vst v2  }
0x3c: {  	[tilespmem:$0x42C0] =	vst v2  }
0x3d: {  	[tilespmem:$0x42D0] =	vst v2  }
0x3e: {  	[tilespmem:$0x42E0] =	vst v2  }
0x3f: {  	[tilespmem:$0x42F0] =	vst v2  }
0x40: {  	[tilespmem:$0x4300] =	vst v2  }
0x41: {  	[tilespmem:$0x4310] =	vst v2  }
0x42: {  	[tilespmem:$0x4320] =	vst v2  }
0x43: {  	[tilespmem:$0x4330] =	vst v2  }
0x44: {  	[tilespmem:$0x4340] =	vst v2  }
0x45: {  	[tilespmem:$0x4350] =	vst v2  }
0x46: {  	[tilespmem:$0x4360] =	vst v2  }
0x47: {  	[tilespmem:$0x4370] =	vst v2  }
0x48: {  	[tilespmem:$0x4380] =	vst v2  }
0x49: {  	[tilespmem:$0x4390] =	vst v2  }
0x4a: {  	[tilespmem:$0x43A0] =	vst v2  }
0x4b: {  	[tilespmem:$0x43B0] =	vst v2  }
0x4c: {  	[tilespmem:$0x43C0] =	vst v2  }
0x4d: {  	[tilespmem:$0x43D0] =	vst v2  }
0x4e: {  	[tilespmem:$0x43E0] =	vst v2  }
0x4f: {  	[tilespmem:$0x43F0] =	vst v2  }
0x50: {  	[tilespmem:$0x4400] =	vst v2  }
0x51: {  	[tilespmem:$0x4410] =	vst v1  }
0x52: {  	s16 =	smov.u32 s4;
	s17 =	simm.s32 $0x0;
	v4 =	vld [tilespmem:$0x4000];
	[tilespmem:$0x4420] =	vst v1  }
.LBB2_2:
0x53: {  	s18 =	sshll.u32 s17, $0xB  }
0x54: {  	s19 =	sadd.s32 s18, s5;
	s18 =	simm.s32 $0x0  }
0x55: {  	[tilespmem:s18], [sflag:$0x1] =	stream.linear.gather [hbm4b:s19+s18], $0x4000, $0x38;
	[tilespmem:$0x4430] =	vst v63  }
0x56: {  	_ =	swait.ge [sflag:s11], $0x4000  }
0x57: {  	[sflag:s11] =	ssyncset.done $0x0  }
0x58: {  	s20 =	simm.s32 $0x0;
	s19 =	smov.u32 s16;
	[sflag:s11] =	ssyncadd.s32 $0xFFFFC000  }
.LBB2_3:
0x59: {  	v5 =	vmov s18;
	_ =	sdelay $0x3  }
0x5a: {  	s21 =	simm.s32 $0x0  }
0x5b: {  	v6 =	vld.idx.msk [tilespmem:v5+s21+$0x0 ss:$0x1], $0xffff  }
0x5c: {  	v7 =	vld [tilespmem:$0x4420];
	_ =	sdelay $0x3  }
0x5d: {  	vm0 =	vgt.s32 v6, v4  }
0x5e: {  	vm2 =	vlt.s32 v7, $0x1F0;
	vm1 =	veq.s32 v6, v4;
	v8 =	vsel vm0, $0x1, v1  }
0x5f: {  	vm1 =	vmand vm1, vm2;
	(xrf0) =	vadd.scan.msk.s32 $0xffff, v8  }
0x60: {  	v8 =	vsel vm1, $0x1, v1  }
0x61: {  	v9 =	vld [tilespmem:$0x4410];
	(xrf0) =	vadd.scan.msk.s32 $0xffff, v8;
	_ =	sdelay $0x3  }
0x62: {  	v8, _, _ =	vpop (xrf0)  }
0x63: {  	v8 =	vadd.s32 v8, v9  }
0x64: {  	v10, _, _ =	vpop (xrf0);
	v8 =	vadd.s32 $0xFFFFFFFF, v8  }
0x65: {  	v10 =	vadd.s32 v10, v7  }
0x66: {  	v10 =	vadd.s32 $0xFFFFFFFF, v10;
	_ =	sdelay $0x1  }
0x67: {  	v11 =	vor.u32 s19, v3  }
0x68: {  	v13 =	vmpcnt.ones.xlane vm0;
	v12 =	vmpcnt.ones.xlane vm1;
	[tilespmem:v8+s12+$0x0] =	vst.idx.msk vm0, v11  }
0x69: {  	[tilespmem:v8+s13+$0x0] =	vst.idx.msk vm0, v6  }
0x6a: {  	s22 =	smov.u32 s19;
	s21 =	simm.s32 $0x40;
	v6 =	vadd.s32 v7, v12;
	v7 =	vadd.s32 v9, v13;
	[tilespmem:v10+s14+$0x0] =	vst.idx.msk vm1, v11  }
.LBB2_4:
0x6b: {  	p0 =	sne.s32 s21, $0x7C0  }
0x6c: {  	[tilespmem:$0x4410] =	vst v7;
	s22 =	sadd.s32 $0x10, s22;
	s23 =	smov.u32 s21;
	s21 =	sadd.s32 $0x40, s21  }
0x6d: {  	s23 =	sshra.s32 s23, $0x2;
	[tilespmem:$0x4420] =	vst v6  }
0x6e: {  	v7 =	vld.idx.msk [tilespmem:v5+s23+$0x0 ss:$0x1], $0xffff;
	_ =	sdelay $0x1  }
0x6f: {  	v8 =	vld [tilespmem:$0x4420];
	_ =	sdelay $0x3  }
0x70: {  	vm0 =	vgt.s32 v7, v4;
	vm1 =	veq.s32 v7, v4  }
0x71: {  	v6 =	vsel vm0, $0x1, v1;
	vm2 =	vlt.s32 v8, $0x1F0  }
0x72: {  	vm1 =	vmand vm1, vm2;
	(xrf0) =	vadd.scan.msk.s32 $0xffff, v6  }
0x73: {  	v6 =	vsel vm1, $0x1, v1;
	v9 =	vmpcnt.ones.xlane vm1  }
0x74: {  	v10 =	vld [tilespmem:$0x4410];
	(xrf0) =	vadd.scan.msk.s32 $0xffff, v6  }
0x75: {  	v6 =	vadd.s32 v8, v9;
	_ =	sdelay $0x2  }
0x76: {  	v9, _, _ =	vpop (xrf0)  }
0x77: {  	v9 =	vadd.s32 v9, v10  }
0x78: {  	v9 =	vadd.s32 $0xFFFFFFFF, v9;
	v11, _, _ =	vpop (xrf0)  }
0x79: {  	v8 =	vadd.s32 v11, v8  }
0x7a: {  	v8 =	vadd.s32 $0xFFFFFFFF, v8  }
.Ltmp0:
0x7b: {  	(pc) =	sbr.rel @p0 .LBB2_4-.Ltmp0, $4  }
0x7c: {  	v11 =	vor.u32 s22, v3  }
0x7d: {  	v12 =	vmpcnt.ones.xlane vm0;
	[tilespmem:v9+s12+$0x0] =	vst.idx.msk vm0, v11  }
0x7e: {  	[tilespmem:v9+s13+$0x0] =	vst.idx.msk vm0, v7  }
0x7f: {  	v7 =	vadd.s32 v10, v12;
	[tilespmem:v8+s14+$0x0] =	vst.idx.msk vm1, v11  }
0x80: {  	s20 =	sadd.s32 $0x1, s20  }
0x81: {  	p0 =	sne.s32 s20, $0x20  }
.Ltmp1:
0x82: {  	_ = 	snop;
	(pc) =	sbr.rel @p0 .LBB2_3-.Ltmp1, $3  }
0x83: {  	_ =	sdelay $0x1  }
0x84: {  	[tilespmem:$0x4410] =	vst v7  }
0x85: {  	[tilespmem:$0x4420] =	vst v6;
	s19 =	sadd.s32 $0x200, s19;
	s18 =	sadd.s32 $0x200, s18  }
0x86: {  	s17 =	sadd.s32 $0x1, s17  }
0x87: {  	p0 =	sne.s32 s17, $0x8  }
.Ltmp2:
0x88: {  	_ = 	snop;
	(pc) =	sbr.rel @p0 .LBB2_2-.Ltmp2, $2  }
0x89: {  	_ =	sdelay $0x2  }
0x8a: {  	s16 =	sadd.s32 $0x4000, s16  }
0x8b: {  	[hbm4b:s6+s2] =	stream.linear.scatter [tilespmem:s12], [sflag:$0x1], $0x100, $0x38;
	[tilespmem:$0x4430] =	vst v63  }
0x8c: {  	_ =	swait.ge [sflag:s11], $0x100  }
0x8d: {  	[sflag:s11] =	ssyncset.done $0x0  }
0x8e: {  	[sflag:s11] =	ssyncadd.s32 $0xFFFFFF00  }
0x8f: {  	[hbm4b:s7+s2] =	stream.linear.scatter [tilespmem:s13], [sflag:$0x1], $0x100, $0x38;
	[tilespmem:$0x4430] =	vst v63  }
0x90: {  	s15 =	sadd.s32 $0x1, s15;
	_ =	swait.ge [sflag:s11], $0x100  }
0x91: {  	p0 =	sne.s32 s15, s9;
	[sflag:s11] =	ssyncset.done $0x0  }
.Ltmp3:
0x92: {  	[sflag:s11] =	ssyncadd.s32 $0xFFFFFF00;
	(pc) =	sbr.rel @p0 .LBB2_1-.Ltmp3, $4  }
0x93: {  	[hbm4b:s8+s2] =	stream.linear.scatter [tilespmem:s14], [sflag:$0x1], $0x200, $0x38;
	[tilespmem:$0x4430] =	vst v63  }
0x94: {  	_ =	swait.ge [sflag:s11], $0x200  }
0x95: {  	[sflag:s11] =	ssyncset.done $0x0  }
0x96: {  	[sflag:s11] =	ssyncadd.s32 $0xFFFFFE00  }
0x97: {  	_ =	sfence.sel $0x180000  }
0x98: {  	[bflag:$0x0] =	sbarrier.arrive $0xFFFF  }
0x99: {  	p0 =	sne.s32 s0, $0x0;
	_ =	strace $0x90000047  }
0x9a: {  	s0 =	sadd.s32 @!p0 $0x100000, s1;
	[bflag:$0x2] =	sbarrier.arrive $0xFFFF  }
0x9b: {  	[sflag:s0] =	ssyncadd.tile.s32 @!p0 $0x1;
	_ =	shalt  }
.Lfunc_end2:
_tile_overlayer_lowered:
.L_overlay_start_2:
0x9c: {  	(tag) =	ssettag $0x2  }
0x9d: {  	s0 =	rddreg [dreg:$0x0];
	s2 =	stileid.u32  }
0x9e: {  	s1 =	rddreg [dreg:$0x1];
	p0 =	sne.s32 s2, $0x0  }
0x9f: {  	s3 =	rddreg [dreg:$0x2];
	[bflag:$0x3] =	sbarrier.arrive $0xFFFF;
	s2 =	simm.s32 @!p0 $0x1C01  }
0xa0: {  	[timem:s3], [sflag:s2] =	dma.local @!p0 [hbm:s0], s1  }
0xa1: {  	s0 =	simm.s32 @!p0 $0x1  }
0xa2: {  	_ =	swait.ge @!p0 [sflag:s0], s1  }
0xa3: {  	s1 =	ssub.s32 @!p0 $0x0, s1;
	[sflag:s0] =	ssyncset.done @!p0 $0x0  }
0xa4: {  	[sflag:s0] =	ssyncadd.s32 @!p0 s1  }
0xa5: {  	[bflag:$0x3] =	sbarrier.arrive $0xFFFF  }
0xa6: {  	_ =	shalt  }

</sc_bundles>
